<compile_context>
chip_gen: v7x
topology: tpu7x:2x2x1
jax: 0.10.2.dev20260603
libtpu: 0.0.44.dev20260713+nightly
codegen_flags: <defaults>
</compile_context>

<pallas_src>
import functools

import jax
import jax.numpy as jnp
from jax import lax
from jax.experimental import pallas as pl
from jax.experimental.pallas import tpu as pltpu
from jax.experimental.pallas import tpu_sc as plsc

BATCH = 4096
SEQ = 200
EMBED = 64
N = BATCH * SEQ
NUM_WORKERS = 32
PER_W = N // NUM_WORKERS
NSLOT = 8
CHUNK = 128
NROUND = PER_W // (NSLOT * CHUNK)

_mesh = plsc.VectorSubcoreMesh(core_axis_name="c", subcore_axis_name="s")


@functools.partial(
    pl.kernel,
    out_type=jax.ShapeDtypeStruct((N, EMBED), jnp.float32),
    mesh=_mesh,
    compiler_params=pltpu.CompilerParams(use_tc_tiling_on_sc=False),
    scratch_types=[
        pltpu.VMEM((PER_W,), jnp.int32),
        pltpu.VMEM((NSLOT, CHUNK, EMBED), jnp.float32),
        pltpu.SemaphoreType.DMA((NSLOT,)),
        pltpu.SemaphoreType.DMA((NSLOT,)),
    ],
)
def _embed_sc(idx_hbm, table_hbm, out_hbm, idx_v, bufs, gsems, ssems):
    wid = lax.axis_index("s") * 2 + lax.axis_index("c")
    base = wid * PER_W
    pltpu.sync_copy(idx_hbm.at[pl.ds(base, PER_W)], idx_v)

    def body(r, carry):
        for s in range(NSLOT):
            chunk_off = pl.multiple_of((r * NSLOT + s) * CHUNK, 8)

            @pl.when(r > 0)
            def _():
                pltpu.make_async_copy(
                    bufs.at[s], out_hbm.at[pl.ds(base, CHUNK)], ssems.at[s]
                ).wait()

            pltpu.async_copy(
                table_hbm.at[idx_v.at[pl.ds(chunk_off, CHUNK)]],
                bufs.at[s], gsems.at[s])
        for s in range(NSLOT):
            chunk_off = pl.multiple_of((r * NSLOT + s) * CHUNK, 8)
            pltpu.make_async_copy(
                table_hbm.at[pl.ds(0, CHUNK)], bufs.at[s], gsems.at[s]
            ).wait()
            pltpu.async_copy(
                bufs.at[s], out_hbm.at[pl.ds(base + chunk_off, CHUNK)],
                ssems.at[s])
        return carry

    lax.fori_loop(0, NROUND, body, 0)
    for s in range(NSLOT):
        pltpu.make_async_copy(
            bufs.at[s], out_hbm.at[pl.ds(base, CHUNK)], ssems.at[s]
        ).wait()


def kernel(word_input, weight_all):
    idx = word_input.reshape(N).astype(jnp.int32)
    out = _embed_sc(idx, weight_all)
    return out.reshape(BATCH, SEQ, EMBED)

# --- scband reference (transcript-rebuilt; emitter-appended) ---
"""Pipeline reference for scband-word-embedding-29283087024864 (READ-ONLY COPY).

The authoritative reference and input builder live on the scoring server;
editing this copy changes nothing except your own understanding.
"""

import jax, jax.numpy as jnp
import numpy as np

VOCAB = 100000
EMBED = 64
BATCH = 4096
SEQ = 200

def setup_inputs(seed: int = 0) -> dict:
    key = jax.random.key(seed)
    k1, k2 = jax.random.split(key)
    word_input = jax.random.randint(k1, (BATCH, SEQ), 0, VOCAB + 2, dtype=jnp.int32).astype(jnp.int64)
    # weight_all = cat([pad(zeros), unk(zeros), vocab_embeddings]) -> [VOCAB+2, EMBED]
    vocab_embed = jax.random.normal(k2, (VOCAB, EMBED), dtype=jnp.float32)
    pad = jnp.zeros((1, EMBED), dtype=jnp.float32)
    unk = jnp.zeros((1, EMBED), dtype=jnp.float32)
    weight_all = jnp.concatenate([pad, unk, vocab_embed], axis=0)
    return {"word_input": word_input, "weight_all": weight_all}

def reference(word_input, weight_all):
    # nn.Embedding(num_embeddings=VOCAB+2, embedding_dim=EMBED, padding_idx=0)
    # forward: table lookup [B, S] -> [B, S, D]
    return jnp.take(weight_all, word_input, axis=0)

if __name__ == "__main__":
    import jax
    _d = setup_inputs()
    print(jax.jit(kernel)(*tuple(_d.values())))

</pallas_src>

<mosaic_0001>
#map = affine_map<(d0, d1) -> (0)>
#map1 = affine_map<(d0, d1) -> (0, 0)>
module attributes {stable_mosaic.version = 14 : i64} {
  func.func @_embed_sc(%arg0: i32, %arg1: i32, %arg2: memref<819200xi32, #tpu.memory_space<hbm>>, %arg3: memref<100002x64xf32, #tpu.memory_space<hbm>>, %arg4: memref<819200x64xf32, #tpu.memory_space<hbm>>, %arg5: memref<25600xi32, #tpu.memory_space<vmem>>, %arg6: memref<8x128x64xf32, #tpu.memory_space<vmem>>, %arg7: memref<8x!tpu.dma_semaphore, #tpu.memory_space<semaphore_mem>>, %arg8: memref<8x!tpu.dma_semaphore, #tpu.memory_space<semaphore_mem>>) attributes {dimension_semantics = [#tpu.dimension_semantics<core_parallel>, #tpu.dimension_semantics<subcore_parallel>], iteration_bounds = array<i64: 2, 16>, scalar_prefetch = 0 : i64, scratch_operands = 4 : i64, tpu.core_type = #tpu.core_type<sc_vector_subcore>, window_params = [{transform_indices = #map}, {transform_indices = #map1}, {transform_indices = #map1}]} {
    %mul3A = arith.constant 2 : i32
    %mul3A_0 = arith.muli %arg1, %mul3A : i32
    %add3A = arith.addi %mul3A_0, %arg0 : i32
    %mul3A_1 = arith.constant 25600 : i32
    %mul3A_2 = arith.muli %add3A, %mul3A_1 : i32
    "tpu.region"() ({
      %run_scoped3A = tpu.sem_alloc : memref<!tpu.dma_semaphore, #tpu.memory_space<semaphore_mem>>
      %dma_start3A = tpu.memref_slice %arg2[%mul3A_2] : memref<819200xi32, #tpu.memory_space<hbm>> -> memref<25600xi32, #tpu.memory_space<hbm>>
      %dma_start3A_135 = tpu.memref_slice %arg2[%mul3A_2] : memref<819200xi32, #tpu.memory_space<hbm>> -> memref<25600xi32, #tpu.memory_space<hbm>>
      tpu.enqueue_dma source(%dma_start3A_135 : memref<25600xi32, #tpu.memory_space<hbm>>) target(%arg5 : memref<25600xi32, #tpu.memory_space<vmem>>) target_semaphore(%run_scoped3A : memref<!tpu.dma_semaphore, #tpu.memory_space<semaphore_mem>>)
      %dma_wait3A_136 = tpu.memref_slice %arg2[%mul3A_2] : memref<819200xi32, #tpu.memory_space<hbm>> -> memref<25600xi32, #tpu.memory_space<hbm>>
      %dma_wait3A_137 = tpu.memref_slice %arg2[%mul3A_2] : memref<819200xi32, #tpu.memory_space<hbm>> -> memref<25600xi32, #tpu.memory_space<hbm>>
      tpu.wait_dma2 semaphore(%run_scoped3A : memref<!tpu.dma_semaphore, #tpu.memory_space<semaphore_mem>>) src(%dma_wait3A_137 : memref<25600xi32, #tpu.memory_space<hbm>>) dst(%arg5 : memref<25600xi32, #tpu.memory_space<vmem>>)
      tpu.yield
    }) : () -> ()
    %scan3A = arith.constant 0 : i32
    %scan3A_3 = arith.constant 0 : i32
    %scan3A_4 = arith.constant 25 : i32
    %scan3A_5 = arith.addi %scan3A_3, %scan3A_4 : i32
    %scan3A_6 = arith.constant 1 : i32
    scf.for %scan3A_135 = %scan3A_3 to %scan3A_5 step %scan3A_6  : i32 {
      %mul3A_136 = arith.constant 8 : i32
      %mul3A_137 = arith.muli %scan3A_135, %mul3A_136 : i32
      %add3A_138 = arith.constant 0 : i32
      %add3A_139 = arith.addi %mul3A_137, %add3A_138 : i32
      %mul3A_140 = arith.constant 128 : i32
      %mul3A_141 = arith.muli %add3A_139, %mul3A_140 : i32
      %multiple_of3A = tpu.assume_multiple %mul3A_141, 8 : i32
      %gt3A = arith.constant 0 : i32
      %gt3A_142 = arith.cmpi sgt, %scan3A_135, %gt3A : i32
      %convert_element_type3A = arith.extui %gt3A_142 : i1 to i32
      %cond3A = arith.constant 0 : i32
      %cond3A_143 = arith.cmpi ne, %convert_element_type3A, %cond3A : i32
      scf.if %cond3A_143 {
        %dma_wait3A_659 = arith.constant 0 : i32
        %dma_wait3A_660 = arith.constant 0 : i32
        %dma_wait3A_661 = arith.constant 0 : i32
        %dma_wait3A_662 = arith.constant 0 : i32
        %dma_wait3A_663 = tpu.memref_slice %arg6[%dma_wait3A_659, %dma_wait3A_661, %dma_wait3A_662] : memref<8x128x64xf32, #tpu.memory_space<vmem>> -> memref<1x128x64xf32, #tpu.memory_space<vmem>>
        %dma_wait3A_664 = tpu.memref_squeeze %dma_wait3A_663 : memref<1x128x64xf32, #tpu.memory_space<vmem>> -> memref<128x64xf32, #tpu.memory_space<vmem>>
        %dma_wait3A_665 = arith.constant 0 : i32
        %dma_wait3A_666 = tpu.memref_slice %arg4[%mul3A_2, %dma_wait3A_665] : memref<819200x64xf32, #tpu.memory_space<hbm>> -> memref<128x64xf32, #tpu.memory_space<hbm>>
        %dma_wait3A_667 = tpu.memref_slice %arg8[%dma_wait3A_660] : memref<8x!tpu.dma_semaphore, #tpu.memory_space<semaphore_mem>> -> memref<1x!tpu.dma_semaphore, #tpu.memory_space<semaphore_mem>>
        %dma_wait3A_668 = tpu.memref_squeeze %dma_wait3A_667 : memref<1x!tpu.dma_semaphore, #tpu.memory_space<semaphore_mem>> -> memref<!tpu.dma_semaphore, #tpu.memory_space<semaphore_mem>>
        %dma_wait3A_669 = arith.constant 0 : i32
        %dma_wait3A_670 = tpu.memref_slice %arg4[%mul3A_2, %dma_wait3A_669] : memref<819200x64xf32, #tpu.memory_space<hbm>> -> memref<128x64xf32, #tpu.memory_space<hbm>>
        %dma_wait3A_671 = arith.constant 0 : i32
        %dma_wait3A_672 = arith.constant 0 : i32
        %dma_wait3A_673 = tpu.memref_slice %arg6[%dma_wait3A_659, %dma_wait3A_671, %dma_wait3A_672] : memref<8x128x64xf32, #tpu.memory_space<vmem>> -> memref<1x128x64xf32, #tpu.memory_space<vmem>>
        %dma_wait3A_674 = tpu.memref_squeeze %dma_wait3A_673 : memref<1x128x64xf32, #tpu.memory_space<vmem>> -> memref<128x64xf32, #tpu.memory_space<vmem>>
        tpu.wait_dma2 semaphore(%dma_wait3A_668 : memref<!tpu.dma_semaphore, #tpu.memory_space<semaphore_mem>>) src(%dma_wait3A_674 : memref<128x64xf32, #tpu.memory_space<vmem>>) dst(%dma_wait3A_670 : memref<128x64xf32, #tpu.memory_space<hbm>>)
      } else {
      }
      %dma_start3A = arith.constant 0 : i32
      %dma_start3A_144 = arith.constant 0 : i32
      %dma_start3A_145 = arith.constant 0 : i32
      %dma_start3A_146 = arith.constant 0 : i32
      %dma_start3A_147 = tpu.memref_slice %arg6[%dma_start3A, %dma_start3A_145, %dma_start3A_146] : memref<8x128x64xf32, #tpu.memory_space<vmem>> -> memref<1x128x64xf32, #tpu.memory_space<vmem>>
      %dma_start3A_148 = tpu.memref_squeeze %dma_start3A_147 : memref<1x128x64xf32, #tpu.memory_space<vmem>> -> memref<128x64xf32, #tpu.memory_space<vmem>>
      %dma_start3A_149 = tpu.memref_slice %arg5[%multiple_of3A] : memref<25600xi32, #tpu.memory_space<vmem>> -> memref<128xi32, #tpu.memory_space<vmem>>
      %dma_start3A_150 = arith.constant 0 : i32
      %dma_start3A_151 = arith.constant 0 : i32
      %dma_start3A_152 = tpu.memref_slice %arg3[%dma_start3A_150, %dma_start3A_151] : memref<100002x64xf32, #tpu.memory_space<hbm>> -> memref<100002x64xf32, #tpu.memory_space<hbm>>
      %dma_start3A_153 = tpu.memref_slice %arg7[%dma_start3A_144] : memref<8x!tpu.dma_semaphore, #tpu.memory_space<semaphore_mem>> -> memref<1x!tpu.dma_semaphore, #tpu.memory_space<semaphore_mem>>
      %dma_start3A_154 = tpu.memref_squeeze %dma_start3A_153 : memref<1x!tpu.dma_semaphore, #tpu.memory_space<semaphore_mem>> -> memref<!tpu.dma_semaphore, #tpu.memory_space<semaphore_mem>>
      tpu.enqueue_indirect_dma source(%dma_start3A_152 : memref<100002x64xf32, #tpu.memory_space<hbm>>) target(%dma_start3A_148 : memref<128x64xf32, #tpu.memory_space<vmem>>) offsets(%dma_start3A_149 : memref<128xi32, #tpu.memory_space<vmem>>) semaphore(%dma_start3A_154 : memref<!tpu.dma_semaphore, #tpu.memory_space<semaphore_mem>>)
      %mul3A_155 = arith.constant 8 : i32
      %mul3A_156 = arith.muli %scan3A_135, %mul3A_155 : i32
      %add3A_157 = arith.constant 1 : i32
      %add3A_158 = arith.addi %mul3A_156, %add3A_157 : i32
      %mul3A_159 = arith.constant 128 : i32
      %mul3A_160 = arith.muli %add3A_158, %mul3A_159 : i32
      %multiple_of3A_161 = tpu.assume_multiple %mul3A_160, 8 : i32
      %gt3A_162 = arith.constant 0 : i32
      %gt3A_163 = arith.cmpi sgt, %scan3A_135, %gt3A_162 : i32
      %convert_element_type3A_164 = arith.extui %gt3A_163 : i1 to i32
      %cond3A_165 = arith.constant 0 : i32
      %cond3A_166 = arith.cmpi ne, %convert_element_type3A_164, %cond3A_165 : i32
      scf.if %cond3A_166 {
        %dma_wait3A_659 = arith.constant 1 : i32
        %dma_wait3A_660 = arith.constant 1 : i32
        %dma_wait3A_661 = arith.constant 0 : i32
        %dma_wait3A_662 = arith.constant 0 : i32
        %dma_wait3A_663 = tpu.memref_slice %arg6[%dma_wait3A_659, %dma_wait3A_661, %dma_wait3A_662] : memref<8x128x64xf32, #tpu.memory_space<vmem>> -> memref<1x128x64xf32, #tpu.memory_space<vmem>>
        %dma_wait3A_664 = tpu.memref_squeeze %dma_wait3A_663 : memref<1x128x64xf32, #tpu.memory_space<vmem>> -> memref<128x64xf32, #tpu.memory_space<vmem>>
        %dma_wait3A_665 = arith.constant 0 : i32
        %dma_wait3A_666 = tpu.memref_slice %arg4[%mul3A_2, %dma_wait3A_665] : memref<819200x64xf32, #tpu.memory_space<hbm>> -> memref<128x64xf32, #tpu.memory_space<hbm>>
        %dma_wait3A_667 = tpu.memref_slice %arg8[%dma_wait3A_660] : memref<8x!tpu.dma_semaphore, #tpu.memory_space<semaphore_mem>> -> memref<1x!tpu.dma_semaphore, #tpu.memory_space<semaphore_mem>>
        %dma_wait3A_668 = tpu.memref_squeeze %dma_wait3A_667 : memref<1x!tpu.dma_semaphore, #tpu.memory_space<semaphore_mem>> -> memref<!tpu.dma_semaphore, #tpu.memory_space<semaphore_mem>>
        %dma_wait3A_669 = arith.constant 0 : i32
        %dma_wait3A_670 = tpu.memref_slice %arg4[%mul3A_2, %dma_wait3A_669] : memref<819200x64xf32, #tpu.memory_space<hbm>> -> memref<128x64xf32, #tpu.memory_space<hbm>>
        %dma_wait3A_671 = arith.constant 0 : i32
        %dma_wait3A_672 = arith.constant 0 : i32
        %dma_wait3A_673 = tpu.memref_slice %arg6[%dma_wait3A_659, %dma_wait3A_671, %dma_wait3A_672] : memref<8x128x64xf32, #tpu.memory_space<vmem>> -> memref<1x128x64xf32, #tpu.memory_space<vmem>>
        %dma_wait3A_674 = tpu.memref_squeeze %dma_wait3A_673 : memref<1x128x64xf32, #tpu.memory_space<vmem>> -> memref<128x64xf32, #tpu.memory_space<vmem>>
        tpu.wait_dma2 semaphore(%dma_wait3A_668 : memref<!tpu.dma_semaphore, #tpu.memory_space<semaphore_mem>>) src(%dma_wait3A_674 : memref<128x64xf32, #tpu.memory_space<vmem>>) dst(%dma_wait3A_670 : memref<128x64xf32, #tpu.memory_space<hbm>>)
      } else {
      }
      %dma_start3A_167 = arith.constant 1 : i32
      %dma_start3A_168 = arith.constant 1 : i32
      %dma_start3A_169 = arith.constant 0 : i32
      %dma_start3A_170 = arith.constant 0 : i32
      %dma_start3A_171 = tpu.memref_slice %arg6[%dma_start3A_167, %dma_start3A_169, %dma_start3A_170] : memref<8x128x64xf32, #tpu.memory_space<vmem>> -> memref<1x128x64xf32, #tpu.memory_space<vmem>>
      %dma_start3A_172 = tpu.memref_squeeze %dma_start3A_171 : memref<1x128x64xf32, #tpu.memory_space<vmem>> -> memref<128x64xf32, #tpu.memory_space<vmem>>
      %dma_start3A_173 = tpu.memref_slice %arg5[%multiple_of3A_161] : memref<25600xi32, #tpu.memory_space<vmem>> -> memref<128xi32, #tpu.memory_space<vmem>>
      %dma_start3A_174 = arith.constant 0 : i32
      %dma_start3A_175 = arith.constant 0 : i32
      %dma_start3A_176 = tpu.memref_slice %arg3[%dma_start3A_174, %dma_start3A_175] : memref<100002x64xf32, #tpu.memory_space<hbm>> -> memref<100002x64xf32, #tpu.memory_space<hbm>>
      %dma_start3A_177 = tpu.memref_slice %arg7[%dma_start3A_168] : memref<8x!tpu.dma_semaphore, #tpu.memory_space<semaphore_mem>> -> memref<1x!tpu.dma_semaphore, #tpu.memory_space<semaphore_mem>>
      %dma_start3A_178 = tpu.memref_squeeze %dma_start3A_177 : memref<1x!tpu.dma_semaphore, #tpu.memory_space<semaphore_mem>> -> memref<!tpu.dma_semaphore, #tpu.memory_space<semaphore_mem>>
      tpu.enqueue_indirect_dma source(%dma_start3A_176 : memref<100002x64xf32, #tpu.memory_space<hbm>>) target(%dma_start3A_172 : memref<128x64xf32, #tpu.memory_space<vmem>>) offsets(%dma_start3A_173 : memref<128xi32, #tpu.memory_space<vmem>>) semaphore(%dma_start3A_178 : memref<!tpu.dma_semaphore, #tpu.memory_space<semaphore_mem>>)
      %mul3A_179 = arith.constant 8 : i32
      %mul3A_180 = arith.muli %scan3A_135, %mul3A_179 : i32
      %add3A_181 = arith.constant 2 : i32
      %add3A_182 = arith.addi %mul3A_180, %add3A_181 : i32
      %mul3A_183 = arith.constant 128 : i32
      %mul3A_184 = arith.muli %add3A_182, %mul3A_183 : i32
      %multiple_of3A_185 = tpu.assume_multiple %mul3A_184, 8 : i32
      %gt3A_186 = arith.constant 0 : i32
      %gt3A_187 = arith.cmpi sgt, %scan3A_135, %gt3A_186 : i32
      %convert_element_type3A_188 = arith.extui %gt3A_187 : i1 to i32
      %cond3A_189 = arith.constant 0 : i32
      %cond3A_190 = arith.cmpi ne, %convert_element_type3A_188, %cond3A_189 : i32
      scf.if %cond3A_190 {
        %dma_wait3A_659 = arith.constant 2 : i32
        %dma_wait3A_660 = arith.constant 2 : i32
        %dma_wait3A_661 = arith.constant 0 : i32
        %dma_wait3A_662 = arith.constant 0 : i32
        %dma_wait3A_663 = tpu.memref_slice %arg6[%dma_wait3A_659, %dma_wait3A_661, %dma_wait3A_662] : memref<8x128x64xf32, #tpu.memory_space<vmem>> -> memref<1x128x64xf32, #tpu.memory_space<vmem>>
        %dma_wait3A_664 = tpu.memref_squeeze %dma_wait3A_663 : memref<1x128x64xf32, #tpu.memory_space<vmem>> -> memref<128x64xf32, #tpu.memory_space<vmem>>
        %dma_wait3A_665 = arith.constant 0 : i32
        %dma_wait3A_666 = tpu.memref_slice %arg4[%mul3A_2, %dma_wait3A_665] : memref<819200x64xf32, #tpu.memory_space<hbm>> -> memref<128x64xf32, #tpu.memory_space<hbm>>
        %dma_wait3A_667 = tpu.memref_slice %arg8[%dma_wait3A_660] : memref<8x!tpu.dma_semaphore, #tpu.memory_space<semaphore_mem>> -> memref<1x!tpu.dma_semaphore, #tpu.memory_space<semaphore_mem>>
        %dma_wait3A_668 = tpu.memref_squeeze %dma_wait3A_667 : memref<1x!tpu.dma_semaphore, #tpu.memory_space<semaphore_mem>> -> memref<!tpu.dma_semaphore, #tpu.memory_space<semaphore_mem>>
        %dma_wait3A_669 = arith.constant 0 : i32
        %dma_wait3A_670 = tpu.memref_slice %arg4[%mul3A_2, %dma_wait3A_669] : memref<819200x64xf32, #tpu.memory_space<hbm>> -> memref<128x64xf32, #tpu.memory_space<hbm>>
        %dma_wait3A_671 = arith.constant 0 : i32
        %dma_wait3A_672 = arith.constant 0 : i32
        %dma_wait3A_673 = tpu.memref_slice %arg6[%dma_wait3A_659, %dma_wait3A_671, %dma_wait3A_672] : memref<8x128x64xf32, #tpu.memory_space<vmem>> -> memref<1x128x64xf32, #tpu.memory_space<vmem>>
        %dma_wait3A_674 = tpu.memref_squeeze %dma_wait3A_673 : memref<1x128x64xf32, #tpu.memory_space<vmem>> -> memref<128x64xf32, #tpu.memory_space<vmem>>
        tpu.wait_dma2 semaphore(%dma_wait3A_668 : memref<!tpu.dma_semaphore, #tpu.memory_space<semaphore_mem>>) src(%dma_wait3A_674 : memref<128x64xf32, #tpu.memory_space<vmem>>) dst(%dma_wait3A_670 : memref<128x64xf32, #tpu.memory_space<hbm>>)
      } else {
      }
      %dma_start3A_191 = arith.constant 2 : i32
      %dma_start3A_192 = arith.constant 2 : i32
      %dma_start3A_193 = arith.constant 0 : i32
      %dma_start3A_194 = arith.constant 0 : i32
      %dma_start3A_195 = tpu.memref_slice %arg6[%dma_start3A_191, %dma_start3A_193, %dma_start3A_194] : memref<8x128x64xf32, #tpu.memory_space<vmem>> -> memref<1x128x64xf32, #tpu.memory_space<vmem>>
      %dma_start3A_196 = tpu.memref_squeeze %dma_start3A_195 : memref<1x128x64xf32, #tpu.memory_space<vmem>> -> memref<128x64xf32, #tpu.memory_space<vmem>>
      %dma_start3A_197 = tpu.memref_slice %arg5[%multiple_of3A_185] : memref<25600xi32, #tpu.memory_space<vmem>> -> memref<128xi32, #tpu.memory_space<vmem>>
      %dma_start3A_198 = arith.constant 0 : i32
      %dma_start3A_199 = arith.constant 0 : i32
      %dma_start3A_200 = tpu.memref_slice %arg3[%dma_start3A_198, %dma_start3A_199] : memref<100002x64xf32, #tpu.memory_space<hbm>> -> memref<100002x64xf32, #tpu.memory_space<hbm>>
      %dma_start3A_201 = tpu.memref_slice %arg7[%dma_start3A_192] : memref<8x!tpu.dma_semaphore, #tpu.memory_space<semaphore_mem>> -> memref<1x!tpu.dma_semaphore, #tpu.memory_space<semaphore_mem>>
      %dma_start3A_202 = tpu.memref_squeeze %dma_start3A_201 : memref<1x!tpu.dma_semaphore, #tpu.memory_space<semaphore_mem>> -> memref<!tpu.dma_semaphore, #tpu.memory_space<semaphore_mem>>
      tpu.enqueue_indirect_dma source(%dma_start3A_200 : memref<100002x64xf32, #tpu.memory_space<hbm>>) target(%dma_start3A_196 : memref<128x64xf32, #tpu.memory_space<vmem>>) offsets(%dma_start3A_197 : memref<128xi32, #tpu.memory_space<vmem>>) semaphore(%dma_start3A_202 : memref<!tpu.dma_semaphore, #tpu.memory_space<semaphore_mem>>)
      %mul3A_203 = arith.constant 8 : i32
      %mul3A_204 = arith.muli %scan3A_135, %mul3A_203 : i32
      %add3A_205 = arith.constant 3 : i32
      %add3A_206 = arith.addi %mul3A_204, %add3A_205 : i32
      %mul3A_207 = arith.constant 128 : i32
      %mul3A_208 = arith.muli %add3A_206, %mul3A_207 : i32
      %multiple_of3A_209 = tpu.assume_multiple %mul3A_208, 8 : i32
      %gt3A_210 = arith.constant 0 : i32
      %gt3A_211 = arith.cmpi sgt, %scan3A_135, %gt3A_210 : i32
      %convert_element_type3A_212 = arith.extui %gt3A_211 : i1 to i32
      %cond3A_213 = arith.constant 0 : i32
      %cond3A_214 = arith.cmpi ne, %convert_element_type3A_212, %cond3A_213 : i32
      scf.if %cond3A_214 {
        %dma_wait3A_659 = arith.constant 3 : i32
        %dma_wait3A_660 = arith.constant 3 : i32
        %dma_wait3A_661 = arith.constant 0 : i32
        %dma_wait3A_662 = arith.constant 0 : i32
        %dma_wait3A_663 = tpu.memref_slice %arg6[%dma_wait3A_659, %dma_wait3A_661, %dma_wait3A_662] : memref<8x128x64xf32, #tpu.memory_space<vmem>> -> memref<1x128x64xf32, #tpu.memory_space<vmem>>
        %dma_wait3A_664 = tpu.memref_squeeze %dma_wait3A_663 : memref<1x128x64xf32, #tpu.memory_space<vmem>> -> memref<128x64xf32, #tpu.memory_space<vmem>>
        %dma_wait3A_665 = arith.constant 0 : i32
        %dma_wait3A_666 = tpu.memref_slice %arg4[%mul3A_2, %dma_wait3A_665] : memref<819200x64xf32, #tpu.memory_space<hbm>> -> memref<128x64xf32, #tpu.memory_space<hbm>>
        %dma_wait3A_667 = tpu.memref_slice %arg8[%dma_wait3A_660] : memref<8x!tpu.dma_semaphore, #tpu.memory_space<semaphore_mem>> -> memref<1x!tpu.dma_semaphore, #tpu.memory_space<semaphore_mem>>
        %dma_wait3A_668 = tpu.memref_squeeze %dma_wait3A_667 : memref<1x!tpu.dma_semaphore, #tpu.memory_space<semaphore_mem>> -> memref<!tpu.dma_semaphore, #tpu.memory_space<semaphore_mem>>
        %dma_wait3A_669 = arith.constant 0 : i32
        %dma_wait3A_670 = tpu.memref_slice %arg4[%mul3A_2, %dma_wait3A_669] : memref<819200x64xf32, #tpu.memory_space<hbm>> -> memref<128x64xf32, #tpu.memory_space<hbm>>
        %dma_wait3A_671 = arith.constant 0 : i32
        %dma_wait3A_672 = arith.constant 0 : i32
        %dma_wait3A_673 = tpu.memref_slice %arg6[%dma_wait3A_659, %dma_wait3A_671, %dma_wait3A_672] : memref<8x128x64xf32, #tpu.memory_space<vmem>> -> memref<1x128x64xf32, #tpu.memory_space<vmem>>
        %dma_wait3A_674 = tpu.memref_squeeze %dma_wait3A_673 : memref<1x128x64xf32, #tpu.memory_space<vmem>> -> memref<128x64xf32, #tpu.memory_space<vmem>>
        tpu.wait_dma2 semaphore(%dma_wait3A_668 : memref<!tpu.dma_semaphore, #tpu.memory_space<semaphore_mem>>) src(%dma_wait3A_674 : memref<128x64xf32, #tpu.memory_space<vmem>>) dst(%dma_wait3A_670 : memref<128x64xf32, #tpu.memory_space<hbm>>)
      } else {
      }
      %dma_start3A_215 = arith.constant 3 : i32
      %dma_start3A_216 = arith.constant 3 : i32
      %dma_start3A_217 = arith.constant 0 : i32
      %dma_start3A_218 = arith.constant 0 : i32
      %dma_start3A_219 = tpu.memref_slice %arg6[%dma_start3A_215, %dma_start3A_217, %dma_start3A_218] : memref<8x128x64xf32, #tpu.memory_space<vmem>> -> memref<1x128x64xf32, #tpu.memory_space<vmem>>
      %dma_start3A_220 = tpu.memref_squeeze %dma_start3A_219 : memref<1x128x64xf32, #tpu.memory_space<vmem>> -> memref<128x64xf32, #tpu.memory_space<vmem>>
      %dma_start3A_221 = tpu.memref_slice %arg5[%multiple_of3A_209] : memref<25600xi32, #tpu.memory_space<vmem>> -> memref<128xi32, #tpu.memory_space<vmem>>
      %dma_start3A_222 = arith.constant 0 : i32
      %dma_start3A_223 = arith.constant 0 : i32
      %dma_start3A_224 = tpu.memref_slice %arg3[%dma_start3A_222, %dma_start3A_223] : memref<100002x64xf32, #tpu.memory_space<hbm>> -> memref<100002x64xf32, #tpu.memory_space<hbm>>
      %dma_start3A_225 = tpu.memref_slice %arg7[%dma_start3A_216] : memref<8x!tpu.dma_semaphore, #tpu.memory_space<semaphore_mem>> -> memref<1x!tpu.dma_semaphore, #tpu.memory_space<semaphore_mem>>
      %dma_start3A_226 = tpu.memref_squeeze %dma_start3A_225 : memref<1x!tpu.dma_semaphore, #tpu.memory_space<semaphore_mem>> -> memref<!tpu.dma_semaphore, #tpu.memory_space<semaphore_mem>>
      tpu.enqueue_indirect_dma source(%dma_start3A_224 : memref<100002x64xf32, #tpu.memory_space<hbm>>) target(%dma_start3A_220 : memref<128x64xf32, #tpu.memory_space<vmem>>) offsets(%dma_start3A_221 : memref<128xi32, #tpu.memory_space<vmem>>) semaphore(%dma_start3A_226 : memref<!tpu.dma_semaphore, #tpu.memory_space<semaphore_mem>>)
      %mul3A_227 = arith.constant 8 : i32
      %mul3A_228 = arith.muli %scan3A_135, %mul3A_227 : i32
      %add3A_229 = arith.constant 4 : i32
      %add3A_230 = arith.addi %mul3A_228, %add3A_229 : i32
      %mul3A_231 = arith.constant 128 : i32
      %mul3A_232 = arith.muli %add3A_230, %mul3A_231 : i32
      %multiple_of3A_233 = tpu.assume_multiple %mul3A_232, 8 : i32
      %gt3A_234 = arith.constant 0 : i32
      %gt3A_235 = arith.cmpi sgt, %scan3A_135, %gt3A_234 : i32
      %convert_element_type3A_236 = arith.extui %gt3A_235 : i1 to i32
      %cond3A_237 = arith.constant 0 : i32
      %cond3A_238 = arith.cmpi ne, %convert_element_type3A_236, %cond3A_237 : i32
      scf.if %cond3A_238 {
        %dma_wait3A_659 = arith.constant 4 : i32
        %dma_wait3A_660 = arith.constant 4 : i32
        %dma_wait3A_661 = arith.constant 0 : i32
        %dma_wait3A_662 = arith.constant 0 : i32
        %dma_wait3A_663 = tpu.memref_slice %arg6[%dma_wait3A_659, %dma_wait3A_661, %dma_wait3A_662] : memref<8x128x64xf32, #tpu.memory_space<vmem>> -> memref<1x128x64xf32, #tpu.memory_space<vmem>>
        %dma_wait3A_664 = tpu.memref_squeeze %dma_wait3A_663 : memref<1x128x64xf32, #tpu.memory_space<vmem>> -> memref<128x64xf32, #tpu.memory_space<vmem>>
        %dma_wait3A_665 = arith.constant 0 : i32
        %dma_wait3A_666 = tpu.memref_slice %arg4[%mul3A_2, %dma_wait3A_665] : memref<819200x64xf32, #tpu.memory_space<hbm>> -> memref<128x64xf32, #tpu.memory_space<hbm>>
        %dma_wait3A_667 = tpu.memref_slice %arg8[%dma_wait3A_660] : memref<8x!tpu.dma_semaphore, #tpu.memory_space<semaphore_mem>> -> memref<1x!tpu.dma_semaphore, #tpu.memory_space<semaphore_mem>>
        %dma_wait3A_668 = tpu.memref_squeeze %dma_wait3A_667 : memref<1x!tpu.dma_semaphore, #tpu.memory_space<semaphore_mem>> -> memref<!tpu.dma_semaphore, #tpu.memory_space<semaphore_mem>>
        %dma_wait3A_669 = arith.constant 0 : i32
        %dma_wait3A_670 = tpu.memref_slice %arg4[%mul3A_2, %dma_wait3A_669] : memref<819200x64xf32, #tpu.memory_space<hbm>> -> memref<128x64xf32, #tpu.memory_space<hbm>>
        %dma_wait3A_671 = arith.constant 0 : i32
        %dma_wait3A_672 = arith.constant 0 : i32
        %dma_wait3A_673 = tpu.memref_slice %arg6[%dma_wait3A_659, %dma_wait3A_671, %dma_wait3A_672] : memref<8x128x64xf32, #tpu.memory_space<vmem>> -> memref<1x128x64xf32, #tpu.memory_space<vmem>>
        %dma_wait3A_674 = tpu.memref_squeeze %dma_wait3A_673 : memref<1x128x64xf32, #tpu.memory_space<vmem>> -> memref<128x64xf32, #tpu.memory_space<vmem>>
        tpu.wait_dma2 semaphore(%dma_wait3A_668 : memref<!tpu.dma_semaphore, #tpu.memory_space<semaphore_mem>>) src(%dma_wait3A_674 : memref<128x64xf32, #tpu.memory_space<vmem>>) dst(%dma_wait3A_670 : memref<128x64xf32, #tpu.memory_space<hbm>>)
      } else {
      }
      %dma_start3A_239 = arith.constant 4 : i32
      %dma_start3A_240 = arith.constant 4 : i32
      %dma_start3A_241 = arith.constant 0 : i32
      %dma_start3A_242 = arith.constant 0 : i32
      %dma_start3A_243 = tpu.memref_slice %arg6[%dma_start3A_239, %dma_start3A_241, %dma_start3A_242] : memref<8x128x64xf32, #tpu.memory_space<vmem>> -> memref<1x128x64xf32, #tpu.memory_space<vmem>>
      %dma_start3A_244 = tpu.memref_squeeze %dma_start3A_243 : memref<1x128x64xf32, #tpu.memory_space<vmem>> -> memref<128x64xf32, #tpu.memory_space<vmem>>
      %dma_start3A_245 = tpu.memref_slice %arg5[%multiple_of3A_233] : memref<25600xi32, #tpu.memory_space<vmem>> -> memref<128xi32, #tpu.memory_space<vmem>>
      %dma_start3A_246 = arith.constant 0 : i32
      %dma_start3A_247 = arith.constant 0 : i32
      %dma_start3A_248 = tpu.memref_slice %arg3[%dma_start3A_246, %dma_start3A_247] : memref<100002x64xf32, #tpu.memory_space<hbm>> -> memref<100002x64xf32, #tpu.memory_space<hbm>>
      %dma_start3A_249 = tpu.memref_slice %arg7[%dma_start3A_240] : memref<8x!tpu.dma_semaphore, #tpu.memory_space<semaphore_mem>> -> memref<1x!tpu.dma_semaphore, #tpu.memory_space<semaphore_mem>>
      %dma_start3A_250 = tpu.memref_squeeze %dma_start3A_249 : memref<1x!tpu.dma_semaphore, #tpu.memory_space<semaphore_mem>> -> memref<!tpu.dma_semaphore, #tpu.memory_space<semaphore_mem>>
      tpu.enqueue_indirect_dma source(%dma_start3A_248 : memref<100002x64xf32, #tpu.memory_space<hbm>>) target(%dma_start3A_244 : memref<128x64xf32, #tpu.memory_space<vmem>>) offsets(%dma_start3A_245 : memref<128xi32, #tpu.memory_space<vmem>>) semaphore(%dma_start3A_250 : memref<!tpu.dma_semaphore, #tpu.memory_space<semaphore_mem>>)
      %mul3A_251 = arith.constant 8 : i32
      %mul3A_252 = arith.muli %scan3A_135, %mul3A_251 : i32
      %add3A_253 = arith.constant 5 : i32
      %add3A_254 = arith.addi %mul3A_252, %add3A_253 : i32
      %mul3A_255 = arith.constant 128 : i32
      %mul3A_256 = arith.muli %add3A_254, %mul3A_255 : i32
      %multiple_of3A_257 = tpu.assume_multiple %mul3A_256, 8 : i32
      %gt3A_258 = arith.constant 0 : i32
      %gt3A_259 = arith.cmpi sgt, %scan3A_135, %gt3A_258 : i32
      %convert_element_type3A_260 = arith.extui %gt3A_259 : i1 to i32
      %cond3A_261 = arith.constant 0 : i32
      %cond3A_262 = arith.cmpi ne, %convert_element_type3A_260, %cond3A_261 : i32
      scf.if %cond3A_262 {
        %dma_wait3A_659 = arith.constant 5 : i32
        %dma_wait3A_660 = arith.constant 5 : i32
        %dma_wait3A_661 = arith.constant 0 : i32
        %dma_wait3A_662 = arith.constant 0 : i32
        %dma_wait3A_663 = tpu.memref_slice %arg6[%dma_wait3A_659, %dma_wait3A_661, %dma_wait3A_662] : memref<8x128x64xf32, #tpu.memory_space<vmem>> -> memref<1x128x64xf32, #tpu.memory_space<vmem>>
        %dma_wait3A_664 = tpu.memref_squeeze %dma_wait3A_663 : memref<1x128x64xf32, #tpu.memory_space<vmem>> -> memref<128x64xf32, #tpu.memory_space<vmem>>
        %dma_wait3A_665 = arith.constant 0 : i32
        %dma_wait3A_666 = tpu.memref_slice %arg4[%mul3A_2, %dma_wait3A_665] : memref<819200x64xf32, #tpu.memory_space<hbm>> -> memref<128x64xf32, #tpu.memory_space<hbm>>
        %dma_wait3A_667 = tpu.memref_slice %arg8[%dma_wait3A_660] : memref<8x!tpu.dma_semaphore, #tpu.memory_space<semaphore_mem>> -> memref<1x!tpu.dma_semaphore, #tpu.memory_space<semaphore_mem>>
        %dma_wait3A_668 = tpu.memref_squeeze %dma_wait3A_667 : memref<1x!tpu.dma_semaphore, #tpu.memory_space<semaphore_mem>> -> memref<!tpu.dma_semaphore, #tpu.memory_space<semaphore_mem>>
        %dma_wait3A_669 = arith.constant 0 : i32
        %dma_wait3A_670 = tpu.memref_slice %arg4[%mul3A_2, %dma_wait3A_669] : memref<819200x64xf32, #tpu.memory_space<hbm>> -> memref<128x64xf32, #tpu.memory_space<hbm>>
        %dma_wait3A_671 = arith.constant 0 : i32
        %dma_wait3A_672 = arith.constant 0 : i32
        %dma_wait3A_673 = tpu.memref_slice %arg6[%dma_wait3A_659, %dma_wait3A_671, %dma_wait3A_672] : memref<8x128x64xf32, #tpu.memory_space<vmem>> -> memref<1x128x64xf32, #tpu.memory_space<vmem>>
        %dma_wait3A_674 = tpu.memref_squeeze %dma_wait3A_673 : memref<1x128x64xf32, #tpu.memory_space<vmem>> -> memref<128x64xf32, #tpu.memory_space<vmem>>
        tpu.wait_dma2 semaphore(%dma_wait3A_668 : memref<!tpu.dma_semaphore, #tpu.memory_space<semaphore_mem>>) src(%dma_wait3A_674 : memref<128x64xf32, #tpu.memory_space<vmem>>) dst(%dma_wait3A_670 : memref<128x64xf32, #tpu.memory_space<hbm>>)
      } else {
      }
      %dma_start3A_263 = arith.constant 5 : i32
      %dma_start3A_264 = arith.constant 5 : i32
      %dma_start3A_265 = arith.constant 0 : i32
      %dma_start3A_266 = arith.constant 0 : i32
      %dma_start3A_267 = tpu.memref_slice %arg6[%dma_start3A_263, %dma_start3A_265, %dma_start3A_266] : memref<8x128x64xf32, #tpu.memory_space<vmem>> -> memref<1x128x64xf32, #tpu.memory_space<vmem>>
      %dma_start3A_268 = tpu.memref_squeeze %dma_start3A_267 : memref<1x128x64xf32, #tpu.memory_space<vmem>> -> memref<128x64xf32, #tpu.memory_space<vmem>>
      %dma_start3A_269 = tpu.memref_slice %arg5[%multiple_of3A_257] : memref<25600xi32, #tpu.memory_space<vmem>> -> memref<128xi32, #tpu.memory_space<vmem>>
      %dma_start3A_270 = arith.constant 0 : i32
      %dma_start3A_271 = arith.constant 0 : i32
      %dma_start3A_272 = tpu.memref_slice %arg3[%dma_start3A_270, %dma_start3A_271] : memref<100002x64xf32, #tpu.memory_space<hbm>> -> memref<100002x64xf32, #tpu.memory_space<hbm>>
      %dma_start3A_273 = tpu.memref_slice %arg7[%dma_start3A_264] : memref<8x!tpu.dma_semaphore, #tpu.memory_space<semaphore_mem>> -> memref<1x!tpu.dma_semaphore, #tpu.memory_space<semaphore_mem>>
      %dma_start3A_274 = tpu.memref_squeeze %dma_start3A_273 : memref<1x!tpu.dma_semaphore, #tpu.memory_space<semaphore_mem>> -> memref<!tpu.dma_semaphore, #tpu.memory_space<semaphore_mem>>
      tpu.enqueue_indirect_dma source(%dma_start3A_272 : memref<100002x64xf32, #tpu.memory_space<hbm>>) target(%dma_start3A_268 : memref<128x64xf32, #tpu.memory_space<vmem>>) offsets(%dma_start3A_269 : memref<128xi32, #tpu.memory_space<vmem>>) semaphore(%dma_start3A_274 : memref<!tpu.dma_semaphore, #tpu.memory_space<semaphore_mem>>)
      %mul3A_275 = arith.constant 8 : i32
      %mul3A_276 = arith.muli %scan3A_135, %mul3A_275 : i32
      %add3A_277 = arith.constant 6 : i32
      %add3A_278 = arith.addi %mul3A_276, %add3A_277 : i32
      %mul3A_279 = arith.constant 128 : i32
      %mul3A_280 = arith.muli %add3A_278, %mul3A_279 : i32
      %multiple_of3A_281 = tpu.assume_multiple %mul3A_280, 8 : i32
      %gt3A_282 = arith.constant 0 : i32
      %gt3A_283 = arith.cmpi sgt, %scan3A_135, %gt3A_282 : i32
      %convert_element_type3A_284 = arith.extui %gt3A_283 : i1 to i32
      %cond3A_285 = arith.constant 0 : i32
      %cond3A_286 = arith.cmpi ne, %convert_element_type3A_284, %cond3A_285 : i32
      scf.if %cond3A_286 {
        %dma_wait3A_659 = arith.constant 6 : i32
        %dma_wait3A_660 = arith.constant 6 : i32
        %dma_wait3A_661 = arith.constant 0 : i32
        %dma_wait3A_662 = arith.constant 0 : i32
        %dma_wait3A_663 = tpu.memref_slice %arg6[%dma_wait3A_659, %dma_wait3A_661, %dma_wait3A_662] : memref<8x128x64xf32, #tpu.memory_space<vmem>> -> memref<1x128x64xf32, #tpu.memory_space<vmem>>
        %dma_wait3A_664 = tpu.memref_squeeze %dma_wait3A_663 : memref<1x128x64xf32, #tpu.memory_space<vmem>> -> memref<128x64xf32, #tpu.memory_space<vmem>>
        %dma_wait3A_665 = arith.constant 0 : i32
        %dma_wait3A_666 = tpu.memref_slice %arg4[%mul3A_2, %dma_wait3A_665] : memref<819200x64xf32, #tpu.memory_space<hbm>> -> memref<128x64xf32, #tpu.memory_space<hbm>>
        %dma_wait3A_667 = tpu.memref_slice %arg8[%dma_wait3A_660] : memref<8x!tpu.dma_semaphore, #tpu.memory_space<semaphore_mem>> -> memref<1x!tpu.dma_semaphore, #tpu.memory_space<semaphore_mem>>
        %dma_wait3A_668 = tpu.memref_squeeze %dma_wait3A_667 : memref<1x!tpu.dma_semaphore, #tpu.memory_space<semaphore_mem>> -> memref<!tpu.dma_semaphore, #tpu.memory_space<semaphore_mem>>
        %dma_wait3A_669 = arith.constant 0 : i32
        %dma_wait3A_670 = tpu.memref_slice %arg4[%mul3A_2, %dma_wait3A_669] : memref<819200x64xf32, #tpu.memory_space<hbm>> -> memref<128x64xf32, #tpu.memory_space<hbm>>
        %dma_wait3A_671 = arith.constant 0 : i32
        %dma_wait3A_672 = arith.constant 0 : i32
        %dma_wait3A_673 = tpu.memref_slice %arg6[%dma_wait3A_659, %dma_wait3A_671, %dma_wait3A_672] : memref<8x128x64xf32, #tpu.memory_space<vmem>> -> memref<1x128x64xf32, #tpu.memory_space<vmem>>
        %dma_wait3A_674 = tpu.memref_squeeze %dma_wait3A_673 : memref<1x128x64xf32, #tpu.memory_space<vmem>> -> memref<128x64xf32, #tpu.memory_space<vmem>>
        tpu.wait_dma2 semaphore(%dma_wait3A_668 : memref<!tpu.dma_semaphore, #tpu.memory_space<semaphore_mem>>) src(%dma_wait3A_674 : memref<128x64xf32, #tpu.memory_space<vmem>>) dst(%dma_wait3A_670 : memref<128x64xf32, #tpu.memory_space<hbm>>)
      } else {
      }
      %dma_start3A_287 = arith.constant 6 : i32
      %dma_start3A_288 = arith.constant 6 : i32
      %dma_start3A_289 = arith.constant 0 : i32
      %dma_start3A_290 = arith.constant 0 : i32
      %dma_start3A_291 = tpu.memref_slice %arg6[%dma_start3A_287, %dma_start3A_289, %dma_start3A_290] : memref<8x128x64xf32, #tpu.memory_space<vmem>> -> memref<1x128x64xf32, #tpu.memory_space<vmem>>
      %dma_start3A_292 = tpu.memref_squeeze %dma_start3A_291 : memref<1x128x64xf32, #tpu.memory_space<vmem>> -> memref<128x64xf32, #tpu.memory_space<vmem>>
      %dma_start3A_293 = tpu.memref_slice %arg5[%multiple_of3A_281] : memref<25600xi32, #tpu.memory_space<vmem>> -> memref<128xi32, #tpu.memory_space<vmem>>
      %dma_start3A_294 = arith.constant 0 : i32
      %dma_start3A_295 = arith.constant 0 : i32
      %dma_start3A_296 = tpu.memref_slice %arg3[%dma_start3A_294, %dma_start3A_295] : memref<100002x64xf32, #tpu.memory_space<hbm>> -> memref<100002x64xf32, #tpu.memory_space<hbm>>
      %dma_start3A_297 = tpu.memref_slice %arg7[%dma_start3A_288] : memref<8x!tpu.dma_semaphore, #tpu.memory_space<semaphore_mem>> -> memref<1x!tpu.dma_semaphore, #tpu.memory_space<semaphore_mem>>
      %dma_start3A_298 = tpu.memref_squeeze %dma_start3A_297 : memref<1x!tpu.dma_semaphore, #tpu.memory_space<semaphore_mem>> -> memref<!tpu.dma_semaphore, #tpu.memory_space<semaphore_mem>>
      tpu.enqueue_indirect_dma source(%dma_start3A_296 : memref<100002x64xf32, #tpu.memory_space<hbm>>) target(%dma_start3A_292 : memref<128x64xf32, #tpu.memory_space<vmem>>) offsets(%dma_start3A_293 : memref<128xi32, #tpu.memory_space<vmem>>) semaphore(%dma_start3A_298 : memref<!tpu.dma_semaphore, #tpu.memory_space<semaphore_mem>>)
      %mul3A_299 = arith.constant 8 : i32
      %mul3A_300 = arith.muli %scan3A_135, %mul3A_299 : i32
      %add3A_301 = arith.constant 7 : i32
      %add3A_302 = arith.addi %mul3A_300, %add3A_301 : i32
      %mul3A_303 = arith.constant 128 : i32
      %mul3A_304 = arith.muli %add3A_302, %mul3A_303 : i32
      %multiple_of3A_305 = tpu.assume_multiple %mul3A_304, 8 : i32
      %gt3A_306 = arith.constant 0 : i32
      %gt3A_307 = arith.cmpi sgt, %scan3A_135, %gt3A_306 : i32
      %convert_element_type3A_308 = arith.extui %gt3A_307 : i1 to i32
      %cond3A_309 = arith.constant 0 : i32
      %cond3A_310 = arith.cmpi ne, %convert_element_type3A_308, %cond3A_309 : i32
      scf.if %cond3A_310 {
        %dma_wait3A_659 = arith.constant 7 : i32
        %dma_wait3A_660 = arith.constant 7 : i32
        %dma_wait3A_661 = arith.constant 0 : i32
        %dma_wait3A_662 = arith.constant 0 : i32
        %dma_wait3A_663 = tpu.memref_slice %arg6[%dma_wait3A_659, %dma_wait3A_661, %dma_wait3A_662] : memref<8x128x64xf32, #tpu.memory_space<vmem>> -> memref<1x128x64xf32, #tpu.memory_space<vmem>>
        %dma_wait3A_664 = tpu.memref_squeeze %dma_wait3A_663 : memref<1x128x64xf32, #tpu.memory_space<vmem>> -> memref<128x64xf32, #tpu.memory_space<vmem>>
        %dma_wait3A_665 = arith.constant 0 : i32
        %dma_wait3A_666 = tpu.memref_slice %arg4[%mul3A_2, %dma_wait3A_665] : memref<819200x64xf32, #tpu.memory_space<hbm>> -> memref<128x64xf32, #tpu.memory_space<hbm>>
        %dma_wait3A_667 = tpu.memref_slice %arg8[%dma_wait3A_660] : memref<8x!tpu.dma_semaphore, #tpu.memory_space<semaphore_mem>> -> memref<1x!tpu.dma_semaphore, #tpu.memory_space<semaphore_mem>>
        %dma_wait3A_668 = tpu.memref_squeeze %dma_wait3A_667 : memref<1x!tpu.dma_semaphore, #tpu.memory_space<semaphore_mem>> -> memref<!tpu.dma_semaphore, #tpu.memory_space<semaphore_mem>>
        %dma_wait3A_669 = arith.constant 0 : i32
        %dma_wait3A_670 = tpu.memref_slice %arg4[%mul3A_2, %dma_wait3A_669] : memref<819200x64xf32, #tpu.memory_space<hbm>> -> memref<128x64xf32, #tpu.memory_space<hbm>>
        %dma_wait3A_671 = arith.constant 0 : i32
        %dma_wait3A_672 = arith.constant 0 : i32
        %dma_wait3A_673 = tpu.memref_slice %arg6[%dma_wait3A_659, %dma_wait3A_671, %dma_wait3A_672] : memref<8x128x64xf32, #tpu.memory_space<vmem>> -> memref<1x128x64xf32, #tpu.memory_space<vmem>>
        %dma_wait3A_674 = tpu.memref_squeeze %dma_wait3A_673 : memref<1x128x64xf32, #tpu.memory_space<vmem>> -> memref<128x64xf32, #tpu.memory_space<vmem>>
        tpu.wait_dma2 semaphore(%dma_wait3A_668 : memref<!tpu.dma_semaphore, #tpu.memory_space<semaphore_mem>>) src(%dma_wait3A_674 : memref<128x64xf32, #tpu.memory_space<vmem>>) dst(%dma_wait3A_670 : memref<128x64xf32, #tpu.memory_space<hbm>>)
      } else {
      }
      %dma_start3A_311 = arith.constant 7 : i32
      %dma_start3A_312 = arith.constant 7 : i32
      %dma_start3A_313 = arith.constant 0 : i32
      %dma_start3A_314 = arith.constant 0 : i32
      %dma_start3A_315 = tpu.memref_slice %arg6[%dma_start3A_311, %dma_start3A_313, %dma_start3A_314] : memref<8x128x64xf32, #tpu.memory_space<vmem>> -> memref<1x128x64xf32, #tpu.memory_space<vmem>>
      %dma_start3A_316 = tpu.memref_squeeze %dma_start3A_315 : memref<1x128x64xf32, #tpu.memory_space<vmem>> -> memref<128x64xf32, #tpu.memory_space<vmem>>
      %dma_start3A_317 = tpu.memref_slice %arg5[%multiple_of3A_305] : memref<25600xi32, #tpu.memory_space<vmem>> -> memref<128xi32, #tpu.memory_space<vmem>>
      %dma_start3A_318 = arith.constant 0 : i32
      %dma_start3A_319 = arith.constant 0 : i32
      %dma_start3A_320 = tpu.memref_slice %arg3[%dma_start3A_318, %dma_start3A_319] : memref<100002x64xf32, #tpu.memory_space<hbm>> -> memref<100002x64xf32, #tpu.memory_space<hbm>>
      %dma_start3A_321 = tpu.memref_slice %arg7[%dma_start3A_312] : memref<8x!tpu.dma_semaphore, #tpu.memory_space<semaphore_mem>> -> memref<1x!tpu.dma_semaphore, #tpu.memory_space<semaphore_mem>>
      %dma_start3A_322 = tpu.memref_squeeze %dma_start3A_321 : memref<1x!tpu.dma_semaphore, #tpu.memory_space<semaphore_mem>> -> memref<!tpu.dma_semaphore, #tpu.memory_space<semaphore_mem>>
      tpu.enqueue_indirect_dma source(%dma_start3A_320 : memref<100002x64xf32, #tpu.memory_space<hbm>>) target(%dma_start3A_316 : memref<128x64xf32, #tpu.memory_space<vmem>>) offsets(%dma_start3A_317 : memref<128xi32, #tpu.memory_space<vmem>>) semaphore(%dma_start3A_322 : memref<!tpu.dma_semaphore, #tpu.memory_space<semaphore_mem>>)
      %mul3A_323 = arith.constant 8 : i32
      %mul3A_324 = arith.muli %scan3A_135, %mul3A_323 : i32
      %add3A_325 = arith.constant 0 : i32
      %add3A_326 = arith.addi %mul3A_324, %add3A_325 : i32
      %mul3A_327 = arith.constant 128 : i32
      %mul3A_328 = arith.muli %add3A_326, %mul3A_327 : i32
      %multiple_of3A_329 = tpu.assume_multiple %mul3A_328, 8 : i32
      %dma_wait3A_330 = arith.constant 0 : i32
      %dma_wait3A_331 = arith.constant 0 : i32
      %dma_wait3A_332 = arith.constant 0 : i32
      %dma_wait3A_333 = arith.constant 0 : i32
      %dma_wait3A_334 = tpu.memref_slice %arg6[%dma_wait3A_330, %dma_wait3A_332, %dma_wait3A_333] : memref<8x128x64xf32, #tpu.memory_space<vmem>> -> memref<1x128x64xf32, #tpu.memory_space<vmem>>
      %dma_wait3A_335 = tpu.memref_squeeze %dma_wait3A_334 : memref<1x128x64xf32, #tpu.memory_space<vmem>> -> memref<128x64xf32, #tpu.memory_space<vmem>>
      %dma_wait3A_336 = arith.constant 0 : i32
      %dma_wait3A_337 = arith.constant 0 : i32
      %dma_wait3A_338 = tpu.memref_slice %arg3[%dma_wait3A_336, %dma_wait3A_337] : memref<100002x64xf32, #tpu.memory_space<hbm>> -> memref<128x64xf32, #tpu.memory_space<hbm>>
      %dma_wait3A_339 = tpu.memref_slice %arg7[%dma_wait3A_331] : memref<8x!tpu.dma_semaphore, #tpu.memory_space<semaphore_mem>> -> memref<1x!tpu.dma_semaphore, #tpu.memory_space<semaphore_mem>>
      %dma_wait3A_340 = tpu.memref_squeeze %dma_wait3A_339 : memref<1x!tpu.dma_semaphore, #tpu.memory_space<semaphore_mem>> -> memref<!tpu.dma_semaphore, #tpu.memory_space<semaphore_mem>>
      %dma_wait3A_341 = arith.constant 0 : i32
      %dma_wait3A_342 = arith.constant 0 : i32
      %dma_wait3A_343 = tpu.memref_slice %arg6[%dma_wait3A_330, %dma_wait3A_341, %dma_wait3A_342] : memref<8x128x64xf32, #tpu.memory_space<vmem>> -> memref<1x128x64xf32, #tpu.memory_space<vmem>>
      %dma_wait3A_344 = tpu.memref_squeeze %dma_wait3A_343 : memref<1x128x64xf32, #tpu.memory_space<vmem>> -> memref<128x64xf32, #tpu.memory_space<vmem>>
      %dma_wait3A_345 = arith.constant 0 : i32
      %dma_wait3A_346 = arith.constant 0 : i32
      %dma_wait3A_347 = tpu.memref_slice %arg3[%dma_wait3A_345, %dma_wait3A_346] : memref<100002x64xf32, #tpu.memory_space<hbm>> -> memref<128x64xf32, #tpu.memory_space<hbm>>
      tpu.wait_dma2 semaphore(%dma_wait3A_340 : memref<!tpu.dma_semaphore, #tpu.memory_space<semaphore_mem>>) src(%dma_wait3A_347 : memref<128x64xf32, #tpu.memory_space<hbm>>) dst(%dma_wait3A_344 : memref<128x64xf32, #tpu.memory_space<vmem>>)
      %add3A_348 = arith.addi %mul3A_2, %multiple_of3A_329 : i32
      %dma_start3A_349 = arith.constant 0 : i32
      %dma_start3A_350 = arith.constant 0 : i32
      %dma_start3A_351 = arith.constant 0 : i32
      %dma_start3A_352 = arith.constant 0 : i32
      %dma_start3A_353 = tpu.memref_slice %arg6[%dma_start3A_349, %dma_start3A_351, %dma_start3A_352] : memref<8x128x64xf32, #tpu.memory_space<vmem>> -> memref<1x128x64xf32, #tpu.memory_space<vmem>>
      %dma_start3A_354 = tpu.memref_squeeze %dma_start3A_353 : memref<1x128x64xf32, #tpu.memory_space<vmem>> -> memref<128x64xf32, #tpu.memory_space<vmem>>
      %dma_start3A_355 = arith.constant 0 : i32
      %dma_start3A_356 = tpu.memref_slice %arg4[%add3A_348, %dma_start3A_355] : memref<819200x64xf32, #tpu.memory_space<hbm>> -> memref<128x64xf32, #tpu.memory_space<hbm>>
      %dma_start3A_357 = tpu.memref_slice %arg8[%dma_start3A_350] : memref<8x!tpu.dma_semaphore, #tpu.memory_space<semaphore_mem>> -> memref<1x!tpu.dma_semaphore, #tpu.memory_space<semaphore_mem>>
      %dma_start3A_358 = tpu.memref_squeeze %dma_start3A_357 : memref<1x!tpu.dma_semaphore, #tpu.memory_space<semaphore_mem>> -> memref<!tpu.dma_semaphore, #tpu.memory_space<semaphore_mem>>
      %dma_start3A_359 = arith.constant 0 : i32
      %dma_start3A_360 = tpu.memref_slice %arg4[%add3A_348, %dma_start3A_359] : memref<819200x64xf32, #tpu.memory_space<hbm>> -> memref<128x64xf32, #tpu.memory_space<hbm>>
      %dma_start3A_361 = arith.constant 0 : i32
      %dma_start3A_362 = arith.constant 0 : i32
      %dma_start3A_363 = tpu.memref_slice %arg6[%dma_start3A_349, %dma_start3A_361, %dma_start3A_362] : memref<8x128x64xf32, #tpu.memory_space<vmem>> -> memref<1x128x64xf32, #tpu.memory_space<vmem>>
      %dma_start3A_364 = tpu.memref_squeeze %dma_start3A_363 : memref<1x128x64xf32, #tpu.memory_space<vmem>> -> memref<128x64xf32, #tpu.memory_space<vmem>>
      tpu.enqueue_dma source(%dma_start3A_364 : memref<128x64xf32, #tpu.memory_space<vmem>>) target(%dma_start3A_360 : memref<128x64xf32, #tpu.memory_space<hbm>>) target_semaphore(%dma_start3A_358 : memref<!tpu.dma_semaphore, #tpu.memory_space<semaphore_mem>>)
      %mul3A_365 = arith.constant 8 : i32
      %mul3A_366 = arith.muli %scan3A_135, %mul3A_365 : i32
      %add3A_367 = arith.constant 1 : i32
      %add3A_368 = arith.addi %mul3A_366, %add3A_367 : i32
      %mul3A_369 = arith.constant 128 : i32
      %mul3A_370 = arith.muli %add3A_368, %mul3A_369 : i32
      %multiple_of3A_371 = tpu.assume_multiple %mul3A_370, 8 : i32
      %dma_wait3A_372 = arith.constant 1 : i32
      %dma_wait3A_373 = arith.constant 1 : i32
      %dma_wait3A_374 = arith.constant 0 : i32
      %dma_wait3A_375 = arith.constant 0 : i32
      %dma_wait3A_376 = tpu.memref_slice %arg6[%dma_wait3A_372, %dma_wait3A_374, %dma_wait3A_375] : memref<8x128x64xf32, #tpu.memory_space<vmem>> -> memref<1x128x64xf32, #tpu.memory_space<vmem>>
      %dma_wait3A_377 = tpu.memref_squeeze %dma_wait3A_376 : memref<1x128x64xf32, #tpu.memory_space<vmem>> -> memref<128x64xf32, #tpu.memory_space<vmem>>
      %dma_wait3A_378 = arith.constant 0 : i32
      %dma_wait3A_379 = arith.constant 0 : i32
      %dma_wait3A_380 = tpu.memref_slice %arg3[%dma_wait3A_378, %dma_wait3A_379] : memref<100002x64xf32, #tpu.memory_space<hbm>> -> memref<128x64xf32, #tpu.memory_space<hbm>>
      %dma_wait3A_381 = tpu.memref_slice %arg7[%dma_wait3A_373] : memref<8x!tpu.dma_semaphore, #tpu.memory_space<semaphore_mem>> -> memref<1x!tpu.dma_semaphore, #tpu.memory_space<semaphore_mem>>
      %dma_wait3A_382 = tpu.memref_squeeze %dma_wait3A_381 : memref<1x!tpu.dma_semaphore, #tpu.memory_space<semaphore_mem>> -> memref<!tpu.dma_semaphore, #tpu.memory_space<semaphore_mem>>
      %dma_wait3A_383 = arith.constant 0 : i32
      %dma_wait3A_384 = arith.constant 0 : i32
      %dma_wait3A_385 = tpu.memref_slice %arg6[%dma_wait3A_372, %dma_wait3A_383, %dma_wait3A_384] : memref<8x128x64xf32, #tpu.memory_space<vmem>> -> memref<1x128x64xf32, #tpu.memory_space<vmem>>
      %dma_wait3A_386 = tpu.memref_squeeze %dma_wait3A_385 : memref<1x128x64xf32, #tpu.memory_space<vmem>> -> memref<128x64xf32, #tpu.memory_space<vmem>>
      %dma_wait3A_387 = arith.constant 0 : i32
      %dma_wait3A_388 = arith.constant 0 : i32
      %dma_wait3A_389 = tpu.memref_slice %arg3[%dma_wait3A_387, %dma_wait3A_388] : memref<100002x64xf32, #tpu.memory_space<hbm>> -> memref<128x64xf32, #tpu.memory_space<hbm>>
      tpu.wait_dma2 semaphore(%dma_wait3A_382 : memref<!tpu.dma_semaphore, #tpu.memory_space<semaphore_mem>>) src(%dma_wait3A_389 : memref<128x64xf32, #tpu.memory_space<hbm>>) dst(%dma_wait3A_386 : memref<128x64xf32, #tpu.memory_space<vmem>>)
      %add3A_390 = arith.addi %mul3A_2, %multiple_of3A_371 : i32
      %dma_start3A_391 = arith.constant 1 : i32
      %dma_start3A_392 = arith.constant 1 : i32
      %dma_start3A_393 = arith.constant 0 : i32
      %dma_start3A_394 = arith.constant 0 : i32
      %dma_start3A_395 = tpu.memref_slice %arg6[%dma_start3A_391, %dma_start3A_393, %dma_start3A_394] : memref<8x128x64xf32, #tpu.memory_space<vmem>> -> memref<1x128x64xf32, #tpu.memory_space<vmem>>
      %dma_start3A_396 = tpu.memref_squeeze %dma_start3A_395 : memref<1x128x64xf32, #tpu.memory_space<vmem>> -> memref<128x64xf32, #tpu.memory_space<vmem>>
      %dma_start3A_397 = arith.constant 0 : i32
      %dma_start3A_398 = tpu.memref_slice %arg4[%add3A_390, %dma_start3A_397] : memref<819200x64xf32, #tpu.memory_space<hbm>> -> memref<128x64xf32, #tpu.memory_space<hbm>>
      %dma_start3A_399 = tpu.memref_slice %arg8[%dma_start3A_392] : memref<8x!tpu.dma_semaphore, #tpu.memory_space<semaphore_mem>> -> memref<1x!tpu.dma_semaphore, #tpu.memory_space<semaphore_mem>>
      %dma_start3A_400 = tpu.memref_squeeze %dma_start3A_399 : memref<1x!tpu.dma_semaphore, #tpu.memory_space<semaphore_mem>> -> memref<!tpu.dma_semaphore, #tpu.memory_space<semaphore_mem>>
      %dma_start3A_401 = arith.constant 0 : i32
      %dma_start3A_402 = tpu.memref_slice %arg4[%add3A_390, %dma_start3A_401] : memref<819200x64xf32, #tpu.memory_space<hbm>> -> memref<128x64xf32, #tpu.memory_space<hbm>>
      %dma_start3A_403 = arith.constant 0 : i32
      %dma_start3A_404 = arith.constant 0 : i32
      %dma_start3A_405 = tpu.memref_slice %arg6[%dma_start3A_391, %dma_start3A_403, %dma_start3A_404] : memref<8x128x64xf32, #tpu.memory_space<vmem>> -> memref<1x128x64xf32, #tpu.memory_space<vmem>>
      %dma_start3A_406 = tpu.memref_squeeze %dma_start3A_405 : memref<1x128x64xf32, #tpu.memory_space<vmem>> -> memref<128x64xf32, #tpu.memory_space<vmem>>
      tpu.enqueue_dma source(%dma_start3A_406 : memref<128x64xf32, #tpu.memory_space<vmem>>) target(%dma_start3A_402 : memref<128x64xf32, #tpu.memory_space<hbm>>) target_semaphore(%dma_start3A_400 : memref<!tpu.dma_semaphore, #tpu.memory_space<semaphore_mem>>)
      %mul3A_407 = arith.constant 8 : i32
      %mul3A_408 = arith.muli %scan3A_135, %mul3A_407 : i32
      %add3A_409 = arith.constant 2 : i32
      %add3A_410 = arith.addi %mul3A_408, %add3A_409 : i32
      %mul3A_411 = arith.constant 128 : i32
      %mul3A_412 = arith.muli %add3A_410, %mul3A_411 : i32
      %multiple_of3A_413 = tpu.assume_multiple %mul3A_412, 8 : i32
      %dma_wait3A_414 = arith.constant 2 : i32
      %dma_wait3A_415 = arith.constant 2 : i32
      %dma_wait3A_416 = arith.constant 0 : i32
      %dma_wait3A_417 = arith.constant 0 : i32
      %dma_wait3A_418 = tpu.memref_slice %arg6[%dma_wait3A_414, %dma_wait3A_416, %dma_wait3A_417] : memref<8x128x64xf32, #tpu.memory_space<vmem>> -> memref<1x128x64xf32, #tpu.memory_space<vmem>>
      %dma_wait3A_419 = tpu.memref_squeeze %dma_wait3A_418 : memref<1x128x64xf32, #tpu.memory_space<vmem>> -> memref<128x64xf32, #tpu.memory_space<vmem>>
      %dma_wait3A_420 = arith.constant 0 : i32
      %dma_wait3A_421 = arith.constant 0 : i32
      %dma_wait3A_422 = tpu.memref_slice %arg3[%dma_wait3A_420, %dma_wait3A_421] : memref<100002x64xf32, #tpu.memory_space<hbm>> -> memref<128x64xf32, #tpu.memory_space<hbm>>
      %dma_wait3A_423 = tpu.memref_slice %arg7[%dma_wait3A_415] : memref<8x!tpu.dma_semaphore, #tpu.memory_space<semaphore_mem>> -> memref<1x!tpu.dma_semaphore, #tpu.memory_space<semaphore_mem>>
      %dma_wait3A_424 = tpu.memref_squeeze %dma_wait3A_423 : memref<1x!tpu.dma_semaphore, #tpu.memory_space<semaphore_mem>> -> memref<!tpu.dma_semaphore, #tpu.memory_space<semaphore_mem>>
      %dma_wait3A_425 = arith.constant 0 : i32
      %dma_wait3A_426 = arith.constant 0 : i32
      %dma_wait3A_427 = tpu.memref_slice %arg6[%dma_wait3A_414, %dma_wait3A_425, %dma_wait3A_426] : memref<8x128x64xf32, #tpu.memory_space<vmem>> -> memref<1x128x64xf32, #tpu.memory_space<vmem>>
      %dma_wait3A_428 = tpu.memref_squeeze %dma_wait3A_427 : memref<1x128x64xf32, #tpu.memory_space<vmem>> -> memref<128x64xf32, #tpu.memory_space<vmem>>
      %dma_wait3A_429 = arith.constant 0 : i32
      %dma_wait3A_430 = arith.constant 0 : i32
      %dma_wait3A_431 = tpu.memref_slice %arg3[%dma_wait3A_429, %dma_wait3A_430] : memref<100002x64xf32, #tpu.memory_space<hbm>> -> memref<128x64xf32, #tpu.memory_space<hbm>>
      tpu.wait_dma2 semaphore(%dma_wait3A_424 : memref<!tpu.dma_semaphore, #tpu.memory_space<semaphore_mem>>) src(%dma_wait3A_431 : memref<128x64xf32, #tpu.memory_space<hbm>>) dst(%dma_wait3A_428 : memref<128x64xf32, #tpu.memory_space<vmem>>)
      %add3A_432 = arith.addi %mul3A_2, %multiple_of3A_413 : i32
      %dma_start3A_433 = arith.constant 2 : i32
      %dma_start3A_434 = arith.constant 2 : i32
      %dma_start3A_435 = arith.constant 0 : i32
      %dma_start3A_436 = arith.constant 0 : i32
      %dma_start3A_437 = tpu.memref_slice %arg6[%dma_start3A_433, %dma_start3A_435, %dma_start3A_436] : memref<8x128x64xf32, #tpu.memory_space<vmem>> -> memref<1x128x64xf32, #tpu.memory_space<vmem>>
      %dma_start3A_438 = tpu.memref_squeeze %dma_start3A_437 : memref<1x128x64xf32, #tpu.memory_space<vmem>> -> memref<128x64xf32, #tpu.memory_space<vmem>>
      %dma_start3A_439 = arith.constant 0 : i32
      %dma_start3A_440 = tpu.memref_slice %arg4[%add3A_432, %dma_start3A_439] : memref<819200x64xf32, #tpu.memory_space<hbm>> -> memref<128x64xf32, #tpu.memory_space<hbm>>
      %dma_start3A_441 = tpu.memref_slice %arg8[%dma_start3A_434] : memref<8x!tpu.dma_semaphore, #tpu.memory_space<semaphore_mem>> -> memref<1x!tpu.dma_semaphore, #tpu.memory_space<semaphore_mem>>
      %dma_start3A_442 = tpu.memref_squeeze %dma_start3A_441 : memref<1x!tpu.dma_semaphore, #tpu.memory_space<semaphore_mem>> -> memref<!tpu.dma_semaphore, #tpu.memory_space<semaphore_mem>>
      %dma_start3A_443 = arith.constant 0 : i32
      %dma_start3A_444 = tpu.memref_slice %arg4[%add3A_432, %dma_start3A_443] : memref<819200x64xf32, #tpu.memory_space<hbm>> -> memref<128x64xf32, #tpu.memory_space<hbm>>
      %dma_start3A_445 = arith.constant 0 : i32
      %dma_start3A_446 = arith.constant 0 : i32
      %dma_start3A_447 = tpu.memref_slice %arg6[%dma_start3A_433, %dma_start3A_445, %dma_start3A_446] : memref<8x128x64xf32, #tpu.memory_space<vmem>> -> memref<1x128x64xf32, #tpu.memory_space<vmem>>
      %dma_start3A_448 = tpu.memref_squeeze %dma_start3A_447 : memref<1x128x64xf32, #tpu.memory_space<vmem>> -> memref<128x64xf32, #tpu.memory_space<vmem>>
      tpu.enqueue_dma source(%dma_start3A_448 : memref<128x64xf32, #tpu.memory_space<vmem>>) target(%dma_start3A_444 : memref<128x64xf32, #tpu.memory_space<hbm>>) target_semaphore(%dma_start3A_442 : memref<!tpu.dma_semaphore, #tpu.memory_space<semaphore_mem>>)
      %mul3A_449 = arith.constant 8 : i32
      %mul3A_450 = arith.muli %scan3A_135, %mul3A_449 : i32
      %add3A_451 = arith.constant 3 : i32
      %add3A_452 = arith.addi %mul3A_450, %add3A_451 : i32
      %mul3A_453 = arith.constant 128 : i32
      %mul3A_454 = arith.muli %add3A_452, %mul3A_453 : i32
      %multiple_of3A_455 = tpu.assume_multiple %mul3A_454, 8 : i32
      %dma_wait3A_456 = arith.constant 3 : i32
      %dma_wait3A_457 = arith.constant 3 : i32
      %dma_wait3A_458 = arith.constant 0 : i32
      %dma_wait3A_459 = arith.constant 0 : i32
      %dma_wait3A_460 = tpu.memref_slice %arg6[%dma_wait3A_456, %dma_wait3A_458, %dma_wait3A_459] : memref<8x128x64xf32, #tpu.memory_space<vmem>> -> memref<1x128x64xf32, #tpu.memory_space<vmem>>
      %dma_wait3A_461 = tpu.memref_squeeze %dma_wait3A_460 : memref<1x128x64xf32, #tpu.memory_space<vmem>> -> memref<128x64xf32, #tpu.memory_space<vmem>>
      %dma_wait3A_462 = arith.constant 0 : i32
      %dma_wait3A_463 = arith.constant 0 : i32
      %dma_wait3A_464 = tpu.memref_slice %arg3[%dma_wait3A_462, %dma_wait3A_463] : memref<100002x64xf32, #tpu.memory_space<hbm>> -> memref<128x64xf32, #tpu.memory_space<hbm>>
      %dma_wait3A_465 = tpu.memref_slice %arg7[%dma_wait3A_457] : memref<8x!tpu.dma_semaphore, #tpu.memory_space<semaphore_mem>> -> memref<1x!tpu.dma_semaphore, #tpu.memory_space<semaphore_mem>>
      %dma_wait3A_466 = tpu.memref_squeeze %dma_wait3A_465 : memref<1x!tpu.dma_semaphore, #tpu.memory_space<semaphore_mem>> -> memref<!tpu.dma_semaphore, #tpu.memory_space<semaphore_mem>>
      %dma_wait3A_467 = arith.constant 0 : i32
      %dma_wait3A_468 = arith.constant 0 : i32
      %dma_wait3A_469 = tpu.memref_slice %arg6[%dma_wait3A_456, %dma_wait3A_467, %dma_wait3A_468] : memref<8x128x64xf32, #tpu.memory_space<vmem>> -> memref<1x128x64xf32, #tpu.memory_space<vmem>>
      %dma_wait3A_470 = tpu.memref_squeeze %dma_wait3A_469 : memref<1x128x64xf32, #tpu.memory_space<vmem>> -> memref<128x64xf32, #tpu.memory_space<vmem>>
      %dma_wait3A_471 = arith.constant 0 : i32
      %dma_wait3A_472 = arith.constant 0 : i32
      %dma_wait3A_473 = tpu.memref_slice %arg3[%dma_wait3A_471, %dma_wait3A_472] : memref<100002x64xf32, #tpu.memory_space<hbm>> -> memref<128x64xf32, #tpu.memory_space<hbm>>
      tpu.wait_dma2 semaphore(%dma_wait3A_466 : memref<!tpu.dma_semaphore, #tpu.memory_space<semaphore_mem>>) src(%dma_wait3A_473 : memref<128x64xf32, #tpu.memory_space<hbm>>) dst(%dma_wait3A_470 : memref<128x64xf32, #tpu.memory_space<vmem>>)
      %add3A_474 = arith.addi %mul3A_2, %multiple_of3A_455 : i32
      %dma_start3A_475 = arith.constant 3 : i32
      %dma_start3A_476 = arith.constant 3 : i32
      %dma_start3A_477 = arith.constant 0 : i32
      %dma_start3A_478 = arith.constant 0 : i32
      %dma_start3A_479 = tpu.memref_slice %arg6[%dma_start3A_475, %dma_start3A_477, %dma_start3A_478] : memref<8x128x64xf32, #tpu.memory_space<vmem>> -> memref<1x128x64xf32, #tpu.memory_space<vmem>>
      %dma_start3A_480 = tpu.memref_squeeze %dma_start3A_479 : memref<1x128x64xf32, #tpu.memory_space<vmem>> -> memref<128x64xf32, #tpu.memory_space<vmem>>
      %dma_start3A_481 = arith.constant 0 : i32
      %dma_start3A_482 = tpu.memref_slice %arg4[%add3A_474, %dma_start3A_481] : memref<819200x64xf32, #tpu.memory_space<hbm>> -> memref<128x64xf32, #tpu.memory_space<hbm>>
      %dma_start3A_483 = tpu.memref_slice %arg8[%dma_start3A_476] : memref<8x!tpu.dma_semaphore, #tpu.memory_space<semaphore_mem>> -> memref<1x!tpu.dma_semaphore, #tpu.memory_space<semaphore_mem>>
      %dma_start3A_484 = tpu.memref_squeeze %dma_start3A_483 : memref<1x!tpu.dma_semaphore, #tpu.memory_space<semaphore_mem>> -> memref<!tpu.dma_semaphore, #tpu.memory_space<semaphore_mem>>
      %dma_start3A_485 = arith.constant 0 : i32
      %dma_start3A_486 = tpu.memref_slice %arg4[%add3A_474, %dma_start3A_485] : memref<819200x64xf32, #tpu.memory_space<hbm>> -> memref<128x64xf32, #tpu.memory_space<hbm>>
      %dma_start3A_487 = arith.constant 0 : i32
      %dma_start3A_488 = arith.constant 0 : i32
      %dma_start3A_489 = tpu.memref_slice %arg6[%dma_start3A_475, %dma_start3A_487, %dma_start3A_488] : memref<8x128x64xf32, #tpu.memory_space<vmem>> -> memref<1x128x64xf32, #tpu.memory_space<vmem>>
      %dma_start3A_490 = tpu.memref_squeeze %dma_start3A_489 : memref<1x128x64xf32, #tpu.memory_space<vmem>> -> memref<128x64xf32, #tpu.memory_space<vmem>>
      tpu.enqueue_dma source(%dma_start3A_490 : memref<128x64xf32, #tpu.memory_space<vmem>>) target(%dma_start3A_486 : memref<128x64xf32, #tpu.memory_space<hbm>>) target_semaphore(%dma_start3A_484 : memref<!tpu.dma_semaphore, #tpu.memory_space<semaphore_mem>>)
      %mul3A_491 = arith.constant 8 : i32
      %mul3A_492 = arith.muli %scan3A_135, %mul3A_491 : i32
      %add3A_493 = arith.constant 4 : i32
      %add3A_494 = arith.addi %mul3A_492, %add3A_493 : i32
      %mul3A_495 = arith.constant 128 : i32
      %mul3A_496 = arith.muli %add3A_494, %mul3A_495 : i32
      %multiple_of3A_497 = tpu.assume_multiple %mul3A_496, 8 : i32
      %dma_wait3A_498 = arith.constant 4 : i32
      %dma_wait3A_499 = arith.constant 4 : i32
      %dma_wait3A_500 = arith.constant 0 : i32
      %dma_wait3A_501 = arith.constant 0 : i32
      %dma_wait3A_502 = tpu.memref_slice %arg6[%dma_wait3A_498, %dma_wait3A_500, %dma_wait3A_501] : memref<8x128x64xf32, #tpu.memory_space<vmem>> -> memref<1x128x64xf32, #tpu.memory_space<vmem>>
      %dma_wait3A_503 = tpu.memref_squeeze %dma_wait3A_502 : memref<1x128x64xf32, #tpu.memory_space<vmem>> -> memref<128x64xf32, #tpu.memory_space<vmem>>
      %dma_wait3A_504 = arith.constant 0 : i32
      %dma_wait3A_505 = arith.constant 0 : i32
      %dma_wait3A_506 = tpu.memref_slice %arg3[%dma_wait3A_504, %dma_wait3A_505] : memref<100002x64xf32, #tpu.memory_space<hbm>> -> memref<128x64xf32, #tpu.memory_space<hbm>>
      %dma_wait3A_507 = tpu.memref_slice %arg7[%dma_wait3A_499] : memref<8x!tpu.dma_semaphore, #tpu.memory_space<semaphore_mem>> -> memref<1x!tpu.dma_semaphore, #tpu.memory_space<semaphore_mem>>
      %dma_wait3A_508 = tpu.memref_squeeze %dma_wait3A_507 : memref<1x!tpu.dma_semaphore, #tpu.memory_space<semaphore_mem>> -> memref<!tpu.dma_semaphore, #tpu.memory_space<semaphore_mem>>
      %dma_wait3A_509 = arith.constant 0 : i32
      %dma_wait3A_510 = arith.constant 0 : i32
      %dma_wait3A_511 = tpu.memref_slice %arg6[%dma_wait3A_498, %dma_wait3A_509, %dma_wait3A_510] : memref<8x128x64xf32, #tpu.memory_space<vmem>> -> memref<1x128x64xf32, #tpu.memory_space<vmem>>
      %dma_wait3A_512 = tpu.memref_squeeze %dma_wait3A_511 : memref<1x128x64xf32, #tpu.memory_space<vmem>> -> memref<128x64xf32, #tpu.memory_space<vmem>>
      %dma_wait3A_513 = arith.constant 0 : i32
      %dma_wait3A_514 = arith.constant 0 : i32
      %dma_wait3A_515 = tpu.memref_slice %arg3[%dma_wait3A_513, %dma_wait3A_514] : memref<100002x64xf32, #tpu.memory_space<hbm>> -> memref<128x64xf32, #tpu.memory_space<hbm>>
      tpu.wait_dma2 semaphore(%dma_wait3A_508 : memref<!tpu.dma_semaphore, #tpu.memory_space<semaphore_mem>>) src(%dma_wait3A_515 : memref<128x64xf32, #tpu.memory_space<hbm>>) dst(%dma_wait3A_512 : memref<128x64xf32, #tpu.memory_space<vmem>>)
      %add3A_516 = arith.addi %mul3A_2, %multiple_of3A_497 : i32
      %dma_start3A_517 = arith.constant 4 : i32
      %dma_start3A_518 = arith.constant 4 : i32
      %dma_start3A_519 = arith.constant 0 : i32
      %dma_start3A_520 = arith.constant 0 : i32
      %dma_start3A_521 = tpu.memref_slice %arg6[%dma_start3A_517, %dma_start3A_519, %dma_start3A_520] : memref<8x128x64xf32, #tpu.memory_space<vmem>> -> memref<1x128x64xf32, #tpu.memory_space<vmem>>
      %dma_start3A_522 = tpu.memref_squeeze %dma_start3A_521 : memref<1x128x64xf32, #tpu.memory_space<vmem>> -> memref<128x64xf32, #tpu.memory_space<vmem>>
      %dma_start3A_523 = arith.constant 0 : i32
      %dma_start3A_524 = tpu.memref_slice %arg4[%add3A_516, %dma_start3A_523] : memref<819200x64xf32, #tpu.memory_space<hbm>> -> memref<128x64xf32, #tpu.memory_space<hbm>>
      %dma_start3A_525 = tpu.memref_slice %arg8[%dma_start3A_518] : memref<8x!tpu.dma_semaphore, #tpu.memory_space<semaphore_mem>> -> memref<1x!tpu.dma_semaphore, #tpu.memory_space<semaphore_mem>>
      %dma_start3A_526 = tpu.memref_squeeze %dma_start3A_525 : memref<1x!tpu.dma_semaphore, #tpu.memory_space<semaphore_mem>> -> memref<!tpu.dma_semaphore, #tpu.memory_space<semaphore_mem>>
      %dma_start3A_527 = arith.constant 0 : i32
      %dma_start3A_528 = tpu.memref_slice %arg4[%add3A_516, %dma_start3A_527] : memref<819200x64xf32, #tpu.memory_space<hbm>> -> memref<128x64xf32, #tpu.memory_space<hbm>>
      %dma_start3A_529 = arith.constant 0 : i32
      %dma_start3A_530 = arith.constant 0 : i32
      %dma_start3A_531 = tpu.memref_slice %arg6[%dma_start3A_517, %dma_start3A_529, %dma_start3A_530] : memref<8x128x64xf32, #tpu.memory_space<vmem>> -> memref<1x128x64xf32, #tpu.memory_space<vmem>>
      %dma_start3A_532 = tpu.memref_squeeze %dma_start3A_531 : memref<1x128x64xf32, #tpu.memory_space<vmem>> -> memref<128x64xf32, #tpu.memory_space<vmem>>
      tpu.enqueue_dma source(%dma_start3A_532 : memref<128x64xf32, #tpu.memory_space<vmem>>) target(%dma_start3A_528 : memref<128x64xf32, #tpu.memory_space<hbm>>) target_semaphore(%dma_start3A_526 : memref<!tpu.dma_semaphore, #tpu.memory_space<semaphore_mem>>)
      %mul3A_533 = arith.constant 8 : i32
      %mul3A_534 = arith.muli %scan3A_135, %mul3A_533 : i32
      %add3A_535 = arith.constant 5 : i32
      %add3A_536 = arith.addi %mul3A_534, %add3A_535 : i32
      %mul3A_537 = arith.constant 128 : i32
      %mul3A_538 = arith.muli %add3A_536, %mul3A_537 : i32
      %multiple_of3A_539 = tpu.assume_multiple %mul3A_538, 8 : i32
      %dma_wait3A_540 = arith.constant 5 : i32
      %dma_wait3A_541 = arith.constant 5 : i32
      %dma_wait3A_542 = arith.constant 0 : i32
      %dma_wait3A_543 = arith.constant 0 : i32
      %dma_wait3A_544 = tpu.memref_slice %arg6[%dma_wait3A_540, %dma_wait3A_542, %dma_wait3A_543] : memref<8x128x64xf32, #tpu.memory_space<vmem>> -> memref<1x128x64xf32, #tpu.memory_space<vmem>>
      %dma_wait3A_545 = tpu.memref_squeeze %dma_wait3A_544 : memref<1x128x64xf32, #tpu.memory_space<vmem>> -> memref<128x64xf32, #tpu.memory_space<vmem>>
      %dma_wait3A_546 = arith.constant 0 : i32
      %dma_wait3A_547 = arith.constant 0 : i32
      %dma_wait3A_548 = tpu.memref_slice %arg3[%dma_wait3A_546, %dma_wait3A_547] : memref<100002x64xf32, #tpu.memory_space<hbm>> -> memref<128x64xf32, #tpu.memory_space<hbm>>
      %dma_wait3A_549 = tpu.memref_slice %arg7[%dma_wait3A_541] : memref<8x!tpu.dma_semaphore, #tpu.memory_space<semaphore_mem>> -> memref<1x!tpu.dma_semaphore, #tpu.memory_space<semaphore_mem>>
      %dma_wait3A_550 = tpu.memref_squeeze %dma_wait3A_549 : memref<1x!tpu.dma_semaphore, #tpu.memory_space<semaphore_mem>> -> memref<!tpu.dma_semaphore, #tpu.memory_space<semaphore_mem>>
      %dma_wait3A_551 = arith.constant 0 : i32
      %dma_wait3A_552 = arith.constant 0 : i32
      %dma_wait3A_553 = tpu.memref_slice %arg6[%dma_wait3A_540, %dma_wait3A_551, %dma_wait3A_552] : memref<8x128x64xf32, #tpu.memory_space<vmem>> -> memref<1x128x64xf32, #tpu.memory_space<vmem>>
      %dma_wait3A_554 = tpu.memref_squeeze %dma_wait3A_553 : memref<1x128x64xf32, #tpu.memory_space<vmem>> -> memref<128x64xf32, #tpu.memory_space<vmem>>
      %dma_wait3A_555 = arith.constant 0 : i32
      %dma_wait3A_556 = arith.constant 0 : i32
      %dma_wait3A_557 = tpu.memref_slice %arg3[%dma_wait3A_555, %dma_wait3A_556] : memref<100002x64xf32, #tpu.memory_space<hbm>> -> memref<128x64xf32, #tpu.memory_space<hbm>>
      tpu.wait_dma2 semaphore(%dma_wait3A_550 : memref<!tpu.dma_semaphore, #tpu.memory_space<semaphore_mem>>) src(%dma_wait3A_557 : memref<128x64xf32, #tpu.memory_space<hbm>>) dst(%dma_wait3A_554 : memref<128x64xf32, #tpu.memory_space<vmem>>)
      %add3A_558 = arith.addi %mul3A_2, %multiple_of3A_539 : i32
      %dma_start3A_559 = arith.constant 5 : i32
      %dma_start3A_560 = arith.constant 5 : i32
      %dma_start3A_561 = arith.constant 0 : i32
      %dma_start3A_562 = arith.constant 0 : i32
      %dma_start3A_563 = tpu.memref_slice %arg6[%dma_start3A_559, %dma_start3A_561, %dma_start3A_562] : memref<8x128x64xf32, #tpu.memory_space<vmem>> -> memref<1x128x64xf32, #tpu.memory_space<vmem>>
      %dma_start3A_564 = tpu.memref_squeeze %dma_start3A_563 : memref<1x128x64xf32, #tpu.memory_space<vmem>> -> memref<128x64xf32, #tpu.memory_space<vmem>>
      %dma_start3A_565 = arith.constant 0 : i32
      %dma_start3A_566 = tpu.memref_slice %arg4[%add3A_558, %dma_start3A_565] : memref<819200x64xf32, #tpu.memory_space<hbm>> -> memref<128x64xf32, #tpu.memory_space<hbm>>
      %dma_start3A_567 = tpu.memref_slice %arg8[%dma_start3A_560] : memref<8x!tpu.dma_semaphore, #tpu.memory_space<semaphore_mem>> -> memref<1x!tpu.dma_semaphore, #tpu.memory_space<semaphore_mem>>
      %dma_start3A_568 = tpu.memref_squeeze %dma_start3A_567 : memref<1x!tpu.dma_semaphore, #tpu.memory_space<semaphore_mem>> -> memref<!tpu.dma_semaphore, #tpu.memory_space<semaphore_mem>>
      %dma_start3A_569 = arith.constant 0 : i32
      %dma_start3A_570 = tpu.memref_slice %arg4[%add3A_558, %dma_start3A_569] : memref<819200x64xf32, #tpu.memory_space<hbm>> -> memref<128x64xf32, #tpu.memory_space<hbm>>
      %dma_start3A_571 = arith.constant 0 : i32
      %dma_start3A_572 = arith.constant 0 : i32
      %dma_start3A_573 = tpu.memref_slice %arg6[%dma_start3A_559, %dma_start3A_571, %dma_start3A_572] : memref<8x128x64xf32, #tpu.memory_space<vmem>> -> memref<1x128x64xf32, #tpu.memory_space<vmem>>
      %dma_start3A_574 = tpu.memref_squeeze %dma_start3A_573 : memref<1x128x64xf32, #tpu.memory_space<vmem>> -> memref<128x64xf32, #tpu.memory_space<vmem>>
      tpu.enqueue_dma source(%dma_start3A_574 : memref<128x64xf32, #tpu.memory_space<vmem>>) target(%dma_start3A_570 : memref<128x64xf32, #tpu.memory_space<hbm>>) target_semaphore(%dma_start3A_568 : memref<!tpu.dma_semaphore, #tpu.memory_space<semaphore_mem>>)
      %mul3A_575 = arith.constant 8 : i32
      %mul3A_576 = arith.muli %scan3A_135, %mul3A_575 : i32
      %add3A_577 = arith.constant 6 : i32
      %add3A_578 = arith.addi %mul3A_576, %add3A_577 : i32
      %mul3A_579 = arith.constant 128 : i32
      %mul3A_580 = arith.muli %add3A_578, %mul3A_579 : i32
      %multiple_of3A_581 = tpu.assume_multiple %mul3A_580, 8 : i32
      %dma_wait3A_582 = arith.constant 6 : i32
      %dma_wait3A_583 = arith.constant 6 : i32
      %dma_wait3A_584 = arith.constant 0 : i32
      %dma_wait3A_585 = arith.constant 0 : i32
      %dma_wait3A_586 = tpu.memref_slice %arg6[%dma_wait3A_582, %dma_wait3A_584, %dma_wait3A_585] : memref<8x128x64xf32, #tpu.memory_space<vmem>> -> memref<1x128x64xf32, #tpu.memory_space<vmem>>
      %dma_wait3A_587 = tpu.memref_squeeze %dma_wait3A_586 : memref<1x128x64xf32, #tpu.memory_space<vmem>> -> memref<128x64xf32, #tpu.memory_space<vmem>>
      %dma_wait3A_588 = arith.constant 0 : i32
      %dma_wait3A_589 = arith.constant 0 : i32
      %dma_wait3A_590 = tpu.memref_slice %arg3[%dma_wait3A_588, %dma_wait3A_589] : memref<100002x64xf32, #tpu.memory_space<hbm>> -> memref<128x64xf32, #tpu.memory_space<hbm>>
      %dma_wait3A_591 = tpu.memref_slice %arg7[%dma_wait3A_583] : memref<8x!tpu.dma_semaphore, #tpu.memory_space<semaphore_mem>> -> memref<1x!tpu.dma_semaphore, #tpu.memory_space<semaphore_mem>>
      %dma_wait3A_592 = tpu.memref_squeeze %dma_wait3A_591 : memref<1x!tpu.dma_semaphore, #tpu.memory_space<semaphore_mem>> -> memref<!tpu.dma_semaphore, #tpu.memory_space<semaphore_mem>>
      %dma_wait3A_593 = arith.constant 0 : i32
      %dma_wait3A_594 = arith.constant 0 : i32
      %dma_wait3A_595 = tpu.memref_slice %arg6[%dma_wait3A_582, %dma_wait3A_593, %dma_wait3A_594] : memref<8x128x64xf32, #tpu.memory_space<vmem>> -> memref<1x128x64xf32, #tpu.memory_space<vmem>>
      %dma_wait3A_596 = tpu.memref_squeeze %dma_wait3A_595 : memref<1x128x64xf32, #tpu.memory_space<vmem>> -> memref<128x64xf32, #tpu.memory_space<vmem>>
      %dma_wait3A_597 = arith.constant 0 : i32
      %dma_wait3A_598 = arith.constant 0 : i32
      %dma_wait3A_599 = tpu.memref_slice %arg3[%dma_wait3A_597, %dma_wait3A_598] : memref<100002x64xf32, #tpu.memory_space<hbm>> -> memref<128x64xf32, #tpu.memory_space<hbm>>
      tpu.wait_dma2 semaphore(%dma_wait3A_592 : memref<!tpu.dma_semaphore, #tpu.memory_space<semaphore_mem>>) src(%dma_wait3A_599 : memref<128x64xf32, #tpu.memory_space<hbm>>) dst(%dma_wait3A_596 : memref<128x64xf32, #tpu.memory_space<vmem>>)
      %add3A_600 = arith.addi %mul3A_2, %multiple_of3A_581 : i32
      %dma_start3A_601 = arith.constant 6 : i32
      %dma_start3A_602 = arith.constant 6 : i32
      %dma_start3A_603 = arith.constant 0 : i32
      %dma_start3A_604 = arith.constant 0 : i32
      %dma_start3A_605 = tpu.memref_slice %arg6[%dma_start3A_601, %dma_start3A_603, %dma_start3A_604] : memref<8x128x64xf32, #tpu.memory_space<vmem>> -> memref<1x128x64xf32, #tpu.memory_space<vmem>>
      %dma_start3A_606 = tpu.memref_squeeze %dma_start3A_605 : memref<1x128x64xf32, #tpu.memory_space<vmem>> -> memref<128x64xf32, #tpu.memory_space<vmem>>
      %dma_start3A_607 = arith.constant 0 : i32
      %dma_start3A_608 = tpu.memref_slice %arg4[%add3A_600, %dma_start3A_607] : memref<819200x64xf32, #tpu.memory_space<hbm>> -> memref<128x64xf32, #tpu.memory_space<hbm>>
      %dma_start3A_609 = tpu.memref_slice %arg8[%dma_start3A_602] : memref<8x!tpu.dma_semaphore, #tpu.memory_space<semaphore_mem>> -> memref<1x!tpu.dma_semaphore, #tpu.memory_space<semaphore_mem>>
      %dma_start3A_610 = tpu.memref_squeeze %dma_start3A_609 : memref<1x!tpu.dma_semaphore, #tpu.memory_space<semaphore_mem>> -> memref<!tpu.dma_semaphore, #tpu.memory_space<semaphore_mem>>
      %dma_start3A_611 = arith.constant 0 : i32
      %dma_start3A_612 = tpu.memref_slice %arg4[%add3A_600, %dma_start3A_611] : memref<819200x64xf32, #tpu.memory_space<hbm>> -> memref<128x64xf32, #tpu.memory_space<hbm>>
      %dma_start3A_613 = arith.constant 0 : i32
      %dma_start3A_614 = arith.constant 0 : i32
      %dma_start3A_615 = tpu.memref_slice %arg6[%dma_start3A_601, %dma_start3A_613, %dma_start3A_614] : memref<8x128x64xf32, #tpu.memory_space<vmem>> -> memref<1x128x64xf32, #tpu.memory_space<vmem>>
      %dma_start3A_616 = tpu.memref_squeeze %dma_start3A_615 : memref<1x128x64xf32, #tpu.memory_space<vmem>> -> memref<128x64xf32, #tpu.memory_space<vmem>>
      tpu.enqueue_dma source(%dma_start3A_616 : memref<128x64xf32, #tpu.memory_space<vmem>>) target(%dma_start3A_612 : memref<128x64xf32, #tpu.memory_space<hbm>>) target_semaphore(%dma_start3A_610 : memref<!tpu.dma_semaphore, #tpu.memory_space<semaphore_mem>>)
      %mul3A_617 = arith.constant 8 : i32
      %mul3A_618 = arith.muli %scan3A_135, %mul3A_617 : i32
      %add3A_619 = arith.constant 7 : i32
      %add3A_620 = arith.addi %mul3A_618, %add3A_619 : i32
      %mul3A_621 = arith.constant 128 : i32
      %mul3A_622 = arith.muli %add3A_620, %mul3A_621 : i32
      %multiple_of3A_623 = tpu.assume_multiple %mul3A_622, 8 : i32
      %dma_wait3A_624 = arith.constant 7 : i32
      %dma_wait3A_625 = arith.constant 7 : i32
      %dma_wait3A_626 = arith.constant 0 : i32
      %dma_wait3A_627 = arith.constant 0 : i32
      %dma_wait3A_628 = tpu.memref_slice %arg6[%dma_wait3A_624, %dma_wait3A_626, %dma_wait3A_627] : memref<8x128x64xf32, #tpu.memory_space<vmem>> -> memref<1x128x64xf32, #tpu.memory_space<vmem>>
      %dma_wait3A_629 = tpu.memref_squeeze %dma_wait3A_628 : memref<1x128x64xf32, #tpu.memory_space<vmem>> -> memref<128x64xf32, #tpu.memory_space<vmem>>
      %dma_wait3A_630 = arith.constant 0 : i32
      %dma_wait3A_631 = arith.constant 0 : i32
      %dma_wait3A_632 = tpu.memref_slice %arg3[%dma_wait3A_630, %dma_wait3A_631] : memref<100002x64xf32, #tpu.memory_space<hbm>> -> memref<128x64xf32, #tpu.memory_space<hbm>>
      %dma_wait3A_633 = tpu.memref_slice %arg7[%dma_wait3A_625] : memref<8x!tpu.dma_semaphore, #tpu.memory_space<semaphore_mem>> -> memref<1x!tpu.dma_semaphore, #tpu.memory_space<semaphore_mem>>
      %dma_wait3A_634 = tpu.memref_squeeze %dma_wait3A_633 : memref<1x!tpu.dma_semaphore, #tpu.memory_space<semaphore_mem>> -> memref<!tpu.dma_semaphore, #tpu.memory_space<semaphore_mem>>
      %dma_wait3A_635 = arith.constant 0 : i32
      %dma_wait3A_636 = arith.constant 0 : i32
      %dma_wait3A_637 = tpu.memref_slice %arg6[%dma_wait3A_624, %dma_wait3A_635, %dma_wait3A_636] : memref<8x128x64xf32, #tpu.memory_space<vmem>> -> memref<1x128x64xf32, #tpu.memory_space<vmem>>
      %dma_wait3A_638 = tpu.memref_squeeze %dma_wait3A_637 : memref<1x128x64xf32, #tpu.memory_space<vmem>> -> memref<128x64xf32, #tpu.memory_space<vmem>>
      %dma_wait3A_639 = arith.constant 0 : i32
      %dma_wait3A_640 = arith.constant 0 : i32
      %dma_wait3A_641 = tpu.memref_slice %arg3[%dma_wait3A_639, %dma_wait3A_640] : memref<100002x64xf32, #tpu.memory_space<hbm>> -> memref<128x64xf32, #tpu.memory_space<hbm>>
      tpu.wait_dma2 semaphore(%dma_wait3A_634 : memref<!tpu.dma_semaphore, #tpu.memory_space<semaphore_mem>>) src(%dma_wait3A_641 : memref<128x64xf32, #tpu.memory_space<hbm>>) dst(%dma_wait3A_638 : memref<128x64xf32, #tpu.memory_space<vmem>>)
      %add3A_642 = arith.addi %mul3A_2, %multiple_of3A_623 : i32
      %dma_start3A_643 = arith.constant 7 : i32
      %dma_start3A_644 = arith.constant 7 : i32
      %dma_start3A_645 = arith.constant 0 : i32
      %dma_start3A_646 = arith.constant 0 : i32
      %dma_start3A_647 = tpu.memref_slice %arg6[%dma_start3A_643, %dma_start3A_645, %dma_start3A_646] : memref<8x128x64xf32, #tpu.memory_space<vmem>> -> memref<1x128x64xf32, #tpu.memory_space<vmem>>
      %dma_start3A_648 = tpu.memref_squeeze %dma_start3A_647 : memref<1x128x64xf32, #tpu.memory_space<vmem>> -> memref<128x64xf32, #tpu.memory_space<vmem>>
      %dma_start3A_649 = arith.constant 0 : i32
      %dma_start3A_650 = tpu.memref_slice %arg4[%add3A_642, %dma_start3A_649] : memref<819200x64xf32, #tpu.memory_space<hbm>> -> memref<128x64xf32, #tpu.memory_space<hbm>>
      %dma_start3A_651 = tpu.memref_slice %arg8[%dma_start3A_644] : memref<8x!tpu.dma_semaphore, #tpu.memory_space<semaphore_mem>> -> memref<1x!tpu.dma_semaphore, #tpu.memory_space<semaphore_mem>>
      %dma_start3A_652 = tpu.memref_squeeze %dma_start3A_651 : memref<1x!tpu.dma_semaphore, #tpu.memory_space<semaphore_mem>> -> memref<!tpu.dma_semaphore, #tpu.memory_space<semaphore_mem>>
      %dma_start3A_653 = arith.constant 0 : i32
      %dma_start3A_654 = tpu.memref_slice %arg4[%add3A_642, %dma_start3A_653] : memref<819200x64xf32, #tpu.memory_space<hbm>> -> memref<128x64xf32, #tpu.memory_space<hbm>>
      %dma_start3A_655 = arith.constant 0 : i32
      %dma_start3A_656 = arith.constant 0 : i32
      %dma_start3A_657 = tpu.memref_slice %arg6[%dma_start3A_643, %dma_start3A_655, %dma_start3A_656] : memref<8x128x64xf32, #tpu.memory_space<vmem>> -> memref<1x128x64xf32, #tpu.memory_space<vmem>>
      %dma_start3A_658 = tpu.memref_squeeze %dma_start3A_657 : memref<1x128x64xf32, #tpu.memory_space<vmem>> -> memref<128x64xf32, #tpu.memory_space<vmem>>
      tpu.enqueue_dma source(%dma_start3A_658 : memref<128x64xf32, #tpu.memory_space<vmem>>) target(%dma_start3A_654 : memref<128x64xf32, #tpu.memory_space<hbm>>) target_semaphore(%dma_start3A_652 : memref<!tpu.dma_semaphore, #tpu.memory_space<semaphore_mem>>)
    }
    %scan3A_7 = arith.constant 25 : i32
    %dma_wait3A = arith.constant 0 : i32
    %dma_wait3A_8 = arith.constant 0 : i32
    %dma_wait3A_9 = arith.constant 0 : i32
    %dma_wait3A_10 = arith.constant 0 : i32
    %dma_wait3A_11 = tpu.memref_slice %arg6[%dma_wait3A, %dma_wait3A_9, %dma_wait3A_10] : memref<8x128x64xf32, #tpu.memory_space<vmem>> -> memref<1x128x64xf32, #tpu.memory_space<vmem>>
    %dma_wait3A_12 = tpu.memref_squeeze %dma_wait3A_11 : memref<1x128x64xf32, #tpu.memory_space<vmem>> -> memref<128x64xf32, #tpu.memory_space<vmem>>
    %dma_wait3A_13 = arith.constant 0 : i32
    %dma_wait3A_14 = tpu.memref_slice %arg4[%mul3A_2, %dma_wait3A_13] : memref<819200x64xf32, #tpu.memory_space<hbm>> -> memref<128x64xf32, #tpu.memory_space<hbm>>
    %dma_wait3A_15 = tpu.memref_slice %arg8[%dma_wait3A_8] : memref<8x!tpu.dma_semaphore, #tpu.memory_space<semaphore_mem>> -> memref<1x!tpu.dma_semaphore, #tpu.memory_space<semaphore_mem>>
    %dma_wait3A_16 = tpu.memref_squeeze %dma_wait3A_15 : memref<1x!tpu.dma_semaphore, #tpu.memory_space<semaphore_mem>> -> memref<!tpu.dma_semaphore, #tpu.memory_space<semaphore_mem>>
    %dma_wait3A_17 = arith.constant 0 : i32
    %dma_wait3A_18 = tpu.memref_slice %arg4[%mul3A_2, %dma_wait3A_17] : memref<819200x64xf32, #tpu.memory_space<hbm>> -> memref<128x64xf32, #tpu.memory_space<hbm>>
    %dma_wait3A_19 = arith.constant 0 : i32
    %dma_wait3A_20 = arith.constant 0 : i32
    %dma_wait3A_21 = tpu.memref_slice %arg6[%dma_wait3A, %dma_wait3A_19, %dma_wait3A_20] : memref<8x128x64xf32, #tpu.memory_space<vmem>> -> memref<1x128x64xf32, #tpu.memory_space<vmem>>
    %dma_wait3A_22 = tpu.memref_squeeze %dma_wait3A_21 : memref<1x128x64xf32, #tpu.memory_space<vmem>> -> memref<128x64xf32, #tpu.memory_space<vmem>>
    tpu.wait_dma2 semaphore(%dma_wait3A_16 : memref<!tpu.dma_semaphore, #tpu.memory_space<semaphore_mem>>) src(%dma_wait3A_22 : memref<128x64xf32, #tpu.memory_space<vmem>>) dst(%dma_wait3A_18 : memref<128x64xf32, #tpu.memory_space<hbm>>)
    %dma_wait3A_23 = arith.constant 1 : i32
    %dma_wait3A_24 = arith.constant 1 : i32
    %dma_wait3A_25 = arith.constant 0 : i32
    %dma_wait3A_26 = arith.constant 0 : i32
    %dma_wait3A_27 = tpu.memref_slice %arg6[%dma_wait3A_23, %dma_wait3A_25, %dma_wait3A_26] : memref<8x128x64xf32, #tpu.memory_space<vmem>> -> memref<1x128x64xf32, #tpu.memory_space<vmem>>
    %dma_wait3A_28 = tpu.memref_squeeze %dma_wait3A_27 : memref<1x128x64xf32, #tpu.memory_space<vmem>> -> memref<128x64xf32, #tpu.memory_space<vmem>>
    %dma_wait3A_29 = arith.constant 0 : i32
    %dma_wait3A_30 = tpu.memref_slice %arg4[%mul3A_2, %dma_wait3A_29] : memref<819200x64xf32, #tpu.memory_space<hbm>> -> memref<128x64xf32, #tpu.memory_space<hbm>>
    %dma_wait3A_31 = tpu.memref_slice %arg8[%dma_wait3A_24] : memref<8x!tpu.dma_semaphore, #tpu.memory_space<semaphore_mem>> -> memref<1x!tpu.dma_semaphore, #tpu.memory_space<semaphore_mem>>
    %dma_wait3A_32 = tpu.memref_squeeze %dma_wait3A_31 : memref<1x!tpu.dma_semaphore, #tpu.memory_space<semaphore_mem>> -> memref<!tpu.dma_semaphore, #tpu.memory_space<semaphore_mem>>
    %dma_wait3A_33 = arith.constant 0 : i32
    %dma_wait3A_34 = tpu.memref_slice %arg4[%mul3A_2, %dma_wait3A_33] : memref<819200x64xf32, #tpu.memory_space<hbm>> -> memref<128x64xf32, #tpu.memory_space<hbm>>
    %dma_wait3A_35 = arith.constant 0 : i32
    %dma_wait3A_36 = arith.constant 0 : i32
    %dma_wait3A_37 = tpu.memref_slice %arg6[%dma_wait3A_23, %dma_wait3A_35, %dma_wait3A_36] : memref<8x128x64xf32, #tpu.memory_space<vmem>> -> memref<1x128x64xf32, #tpu.memory_space<vmem>>
    %dma_wait3A_38 = tpu.memref_squeeze %dma_wait3A_37 : memref<1x128x64xf32, #tpu.memory_space<vmem>> -> memref<128x64xf32, #tpu.memory_space<vmem>>
    tpu.wait_dma2 semaphore(%dma_wait3A_32 : memref<!tpu.dma_semaphore, #tpu.memory_space<semaphore_mem>>) src(%dma_wait3A_38 : memref<128x64xf32, #tpu.memory_space<vmem>>) dst(%dma_wait3A_34 : memref<128x64xf32, #tpu.memory_space<hbm>>)
    %dma_wait3A_39 = arith.constant 2 : i32
    %dma_wait3A_40 = arith.constant 2 : i32
    %dma_wait3A_41 = arith.constant 0 : i32
    %dma_wait3A_42 = arith.constant 0 : i32
    %dma_wait3A_43 = tpu.memref_slice %arg6[%dma_wait3A_39, %dma_wait3A_41, %dma_wait3A_42] : memref<8x128x64xf32, #tpu.memory_space<vmem>> -> memref<1x128x64xf32, #tpu.memory_space<vmem>>
    %dma_wait3A_44 = tpu.memref_squeeze %dma_wait3A_43 : memref<1x128x64xf32, #tpu.memory_space<vmem>> -> memref<128x64xf32, #tpu.memory_space<vmem>>
    %dma_wait3A_45 = arith.constant 0 : i32
    %dma_wait3A_46 = tpu.memref_slice %arg4[%mul3A_2, %dma_wait3A_45] : memref<819200x64xf32, #tpu.memory_space<hbm>> -> memref<128x64xf32, #tpu.memory_space<hbm>>
    %dma_wait3A_47 = tpu.memref_slice %arg8[%dma_wait3A_40] : memref<8x!tpu.dma_semaphore, #tpu.memory_space<semaphore_mem>> -> memref<1x!tpu.dma_semaphore, #tpu.memory_space<semaphore_mem>>
    %dma_wait3A_48 = tpu.memref_squeeze %dma_wait3A_47 : memref<1x!tpu.dma_semaphore, #tpu.memory_space<semaphore_mem>> -> memref<!tpu.dma_semaphore, #tpu.memory_space<semaphore_mem>>
    %dma_wait3A_49 = arith.constant 0 : i32
    %dma_wait3A_50 = tpu.memref_slice %arg4[%mul3A_2, %dma_wait3A_49] : memref<819200x64xf32, #tpu.memory_space<hbm>> -> memref<128x64xf32, #tpu.memory_space<hbm>>
    %dma_wait3A_51 = arith.constant 0 : i32
    %dma_wait3A_52 = arith.constant 0 : i32
    %dma_wait3A_53 = tpu.memref_slice %arg6[%dma_wait3A_39, %dma_wait3A_51, %dma_wait3A_52] : memref<8x128x64xf32, #tpu.memory_space<vmem>> -> memref<1x128x64xf32, #tpu.memory_space<vmem>>
    %dma_wait3A_54 = tpu.memref_squeeze %dma_wait3A_53 : memref<1x128x64xf32, #tpu.memory_space<vmem>> -> memref<128x64xf32, #tpu.memory_space<vmem>>
    tpu.wait_dma2 semaphore(%dma_wait3A_48 : memref<!tpu.dma_semaphore, #tpu.memory_space<semaphore_mem>>) src(%dma_wait3A_54 : memref<128x64xf32, #tpu.memory_space<vmem>>) dst(%dma_wait3A_50 : memref<128x64xf32, #tpu.memory_space<hbm>>)
    %dma_wait3A_55 = arith.constant 3 : i32
    %dma_wait3A_56 = arith.constant 3 : i32
    %dma_wait3A_57 = arith.constant 0 : i32
    %dma_wait3A_58 = arith.constant 0 : i32
    %dma_wait3A_59 = tpu.memref_slice %arg6[%dma_wait3A_55, %dma_wait3A_57, %dma_wait3A_58] : memref<8x128x64xf32, #tpu.memory_space<vmem>> -> memref<1x128x64xf32, #tpu.memory_space<vmem>>
    %dma_wait3A_60 = tpu.memref_squeeze %dma_wait3A_59 : memref<1x128x64xf32, #tpu.memory_space<vmem>> -> memref<128x64xf32, #tpu.memory_space<vmem>>
    %dma_wait3A_61 = arith.constant 0 : i32
    %dma_wait3A_62 = tpu.memref_slice %arg4[%mul3A_2, %dma_wait3A_61] : memref<819200x64xf32, #tpu.memory_space<hbm>> -> memref<128x64xf32, #tpu.memory_space<hbm>>
    %dma_wait3A_63 = tpu.memref_slice %arg8[%dma_wait3A_56] : memref<8x!tpu.dma_semaphore, #tpu.memory_space<semaphore_mem>> -> memref<1x!tpu.dma_semaphore, #tpu.memory_space<semaphore_mem>>
    %dma_wait3A_64 = tpu.memref_squeeze %dma_wait3A_63 : memref<1x!tpu.dma_semaphore, #tpu.memory_space<semaphore_mem>> -> memref<!tpu.dma_semaphore, #tpu.memory_space<semaphore_mem>>
    %dma_wait3A_65 = arith.constant 0 : i32
    %dma_wait3A_66 = tpu.memref_slice %arg4[%mul3A_2, %dma_wait3A_65] : memref<819200x64xf32, #tpu.memory_space<hbm>> -> memref<128x64xf32, #tpu.memory_space<hbm>>
    %dma_wait3A_67 = arith.constant 0 : i32
    %dma_wait3A_68 = arith.constant 0 : i32
    %dma_wait3A_69 = tpu.memref_slice %arg6[%dma_wait3A_55, %dma_wait3A_67, %dma_wait3A_68] : memref<8x128x64xf32, #tpu.memory_space<vmem>> -> memref<1x128x64xf32, #tpu.memory_space<vmem>>
    %dma_wait3A_70 = tpu.memref_squeeze %dma_wait3A_69 : memref<1x128x64xf32, #tpu.memory_space<vmem>> -> memref<128x64xf32, #tpu.memory_space<vmem>>
    tpu.wait_dma2 semaphore(%dma_wait3A_64 : memref<!tpu.dma_semaphore, #tpu.memory_space<semaphore_mem>>) src(%dma_wait3A_70 : memref<128x64xf32, #tpu.memory_space<vmem>>) dst(%dma_wait3A_66 : memref<128x64xf32, #tpu.memory_space<hbm>>)
    %dma_wait3A_71 = arith.constant 4 : i32
    %dma_wait3A_72 = arith.constant 4 : i32
    %dma_wait3A_73 = arith.constant 0 : i32
    %dma_wait3A_74 = arith.constant 0 : i32
    %dma_wait3A_75 = tpu.memref_slice %arg6[%dma_wait3A_71, %dma_wait3A_73, %dma_wait3A_74] : memref<8x128x64xf32, #tpu.memory_space<vmem>> -> memref<1x128x64xf32, #tpu.memory_space<vmem>>
    %dma_wait3A_76 = tpu.memref_squeeze %dma_wait3A_75 : memref<1x128x64xf32, #tpu.memory_space<vmem>> -> memref<128x64xf32, #tpu.memory_space<vmem>>
    %dma_wait3A_77 = arith.constant 0 : i32
    %dma_wait3A_78 = tpu.memref_slice %arg4[%mul3A_2, %dma_wait3A_77] : memref<819200x64xf32, #tpu.memory_space<hbm>> -> memref<128x64xf32, #tpu.memory_space<hbm>>
    %dma_wait3A_79 = tpu.memref_slice %arg8[%dma_wait3A_72] : memref<8x!tpu.dma_semaphore, #tpu.memory_space<semaphore_mem>> -> memref<1x!tpu.dma_semaphore, #tpu.memory_space<semaphore_mem>>
    %dma_wait3A_80 = tpu.memref_squeeze %dma_wait3A_79 : memref<1x!tpu.dma_semaphore, #tpu.memory_space<semaphore_mem>> -> memref<!tpu.dma_semaphore, #tpu.memory_space<semaphore_mem>>
    %dma_wait3A_81 = arith.constant 0 : i32
    %dma_wait3A_82 = tpu.memref_slice %arg4[%mul3A_2, %dma_wait3A_81] : memref<819200x64xf32, #tpu.memory_space<hbm>> -> memref<128x64xf32, #tpu.memory_space<hbm>>
    %dma_wait3A_83 = arith.constant 0 : i32
    %dma_wait3A_84 = arith.constant 0 : i32
    %dma_wait3A_85 = tpu.memref_slice %arg6[%dma_wait3A_71, %dma_wait3A_83, %dma_wait3A_84] : memref<8x128x64xf32, #tpu.memory_space<vmem>> -> memref<1x128x64xf32, #tpu.memory_space<vmem>>
    %dma_wait3A_86 = tpu.memref_squeeze %dma_wait3A_85 : memref<1x128x64xf32, #tpu.memory_space<vmem>> -> memref<128x64xf32, #tpu.memory_space<vmem>>
    tpu.wait_dma2 semaphore(%dma_wait3A_80 : memref<!tpu.dma_semaphore, #tpu.memory_space<semaphore_mem>>) src(%dma_wait3A_86 : memref<128x64xf32, #tpu.memory_space<vmem>>) dst(%dma_wait3A_82 : memref<128x64xf32, #tpu.memory_space<hbm>>)
    %dma_wait3A_87 = arith.constant 5 : i32
    %dma_wait3A_88 = arith.constant 5 : i32
    %dma_wait3A_89 = arith.constant 0 : i32
    %dma_wait3A_90 = arith.constant 0 : i32
    %dma_wait3A_91 = tpu.memref_slice %arg6[%dma_wait3A_87, %dma_wait3A_89, %dma_wait3A_90] : memref<8x128x64xf32, #tpu.memory_space<vmem>> -> memref<1x128x64xf32, #tpu.memory_space<vmem>>
    %dma_wait3A_92 = tpu.memref_squeeze %dma_wait3A_91 : memref<1x128x64xf32, #tpu.memory_space<vmem>> -> memref<128x64xf32, #tpu.memory_space<vmem>>
    %dma_wait3A_93 = arith.constant 0 : i32
    %dma_wait3A_94 = tpu.memref_slice %arg4[%mul3A_2, %dma_wait3A_93] : memref<819200x64xf32, #tpu.memory_space<hbm>> -> memref<128x64xf32, #tpu.memory_space<hbm>>
    %dma_wait3A_95 = tpu.memref_slice %arg8[%dma_wait3A_88] : memref<8x!tpu.dma_semaphore, #tpu.memory_space<semaphore_mem>> -> memref<1x!tpu.dma_semaphore, #tpu.memory_space<semaphore_mem>>
    %dma_wait3A_96 = tpu.memref_squeeze %dma_wait3A_95 : memref<1x!tpu.dma_semaphore, #tpu.memory_space<semaphore_mem>> -> memref<!tpu.dma_semaphore, #tpu.memory_space<semaphore_mem>>
    %dma_wait3A_97 = arith.constant 0 : i32
    %dma_wait3A_98 = tpu.memref_slice %arg4[%mul3A_2, %dma_wait3A_97] : memref<819200x64xf32, #tpu.memory_space<hbm>> -> memref<128x64xf32, #tpu.memory_space<hbm>>
    %dma_wait3A_99 = arith.constant 0 : i32
    %dma_wait3A_100 = arith.constant 0 : i32
    %dma_wait3A_101 = tpu.memref_slice %arg6[%dma_wait3A_87, %dma_wait3A_99, %dma_wait3A_100] : memref<8x128x64xf32, #tpu.memory_space<vmem>> -> memref<1x128x64xf32, #tpu.memory_space<vmem>>
    %dma_wait3A_102 = tpu.memref_squeeze %dma_wait3A_101 : memref<1x128x64xf32, #tpu.memory_space<vmem>> -> memref<128x64xf32, #tpu.memory_space<vmem>>
    tpu.wait_dma2 semaphore(%dma_wait3A_96 : memref<!tpu.dma_semaphore, #tpu.memory_space<semaphore_mem>>) src(%dma_wait3A_102 : memref<128x64xf32, #tpu.memory_space<vmem>>) dst(%dma_wait3A_98 : memref<128x64xf32, #tpu.memory_space<hbm>>)
    %dma_wait3A_103 = arith.constant 6 : i32
    %dma_wait3A_104 = arith.constant 6 : i32
    %dma_wait3A_105 = arith.constant 0 : i32
    %dma_wait3A_106 = arith.constant 0 : i32
    %dma_wait3A_107 = tpu.memref_slice %arg6[%dma_wait3A_103, %dma_wait3A_105, %dma_wait3A_106] : memref<8x128x64xf32, #tpu.memory_space<vmem>> -> memref<1x128x64xf32, #tpu.memory_space<vmem>>
    %dma_wait3A_108 = tpu.memref_squeeze %dma_wait3A_107 : memref<1x128x64xf32, #tpu.memory_space<vmem>> -> memref<128x64xf32, #tpu.memory_space<vmem>>
    %dma_wait3A_109 = arith.constant 0 : i32
    %dma_wait3A_110 = tpu.memref_slice %arg4[%mul3A_2, %dma_wait3A_109] : memref<819200x64xf32, #tpu.memory_space<hbm>> -> memref<128x64xf32, #tpu.memory_space<hbm>>
    %dma_wait3A_111 = tpu.memref_slice %arg8[%dma_wait3A_104] : memref<8x!tpu.dma_semaphore, #tpu.memory_space<semaphore_mem>> -> memref<1x!tpu.dma_semaphore, #tpu.memory_space<semaphore_mem>>
    %dma_wait3A_112 = tpu.memref_squeeze %dma_wait3A_111 : memref<1x!tpu.dma_semaphore, #tpu.memory_space<semaphore_mem>> -> memref<!tpu.dma_semaphore, #tpu.memory_space<semaphore_mem>>
    %dma_wait3A_113 = arith.constant 0 : i32
    %dma_wait3A_114 = tpu.memref_slice %arg4[%mul3A_2, %dma_wait3A_113] : memref<819200x64xf32, #tpu.memory_space<hbm>> -> memref<128x64xf32, #tpu.memory_space<hbm>>
    %dma_wait3A_115 = arith.constant 0 : i32
    %dma_wait3A_116 = arith.constant 0 : i32
    %dma_wait3A_117 = tpu.memref_slice %arg6[%dma_wait3A_103, %dma_wait3A_115, %dma_wait3A_116] : memref<8x128x64xf32, #tpu.memory_space<vmem>> -> memref<1x128x64xf32, #tpu.memory_space<vmem>>
    %dma_wait3A_118 = tpu.memref_squeeze %dma_wait3A_117 : memref<1x128x64xf32, #tpu.memory_space<vmem>> -> memref<128x64xf32, #tpu.memory_space<vmem>>
    tpu.wait_dma2 semaphore(%dma_wait3A_112 : memref<!tpu.dma_semaphore, #tpu.memory_space<semaphore_mem>>) src(%dma_wait3A_118 : memref<128x64xf32, #tpu.memory_space<vmem>>) dst(%dma_wait3A_114 : memref<128x64xf32, #tpu.memory_space<hbm>>)
    %dma_wait3A_119 = arith.constant 7 : i32
    %dma_wait3A_120 = arith.constant 7 : i32
    %dma_wait3A_121 = arith.constant 0 : i32
    %dma_wait3A_122 = arith.constant 0 : i32
    %dma_wait3A_123 = tpu.memref_slice %arg6[%dma_wait3A_119, %dma_wait3A_121, %dma_wait3A_122] : memref<8x128x64xf32, #tpu.memory_space<vmem>> -> memref<1x128x64xf32, #tpu.memory_space<vmem>>
    %dma_wait3A_124 = tpu.memref_squeeze %dma_wait3A_123 : memref<1x128x64xf32, #tpu.memory_space<vmem>> -> memref<128x64xf32, #tpu.memory_space<vmem>>
    %dma_wait3A_125 = arith.constant 0 : i32
    %dma_wait3A_126 = tpu.memref_slice %arg4[%mul3A_2, %dma_wait3A_125] : memref<819200x64xf32, #tpu.memory_space<hbm>> -> memref<128x64xf32, #tpu.memory_space<hbm>>
    %dma_wait3A_127 = tpu.memref_slice %arg8[%dma_wait3A_120] : memref<8x!tpu.dma_semaphore, #tpu.memory_space<semaphore_mem>> -> memref<1x!tpu.dma_semaphore, #tpu.memory_space<semaphore_mem>>
    %dma_wait3A_128 = tpu.memref_squeeze %dma_wait3A_127 : memref<1x!tpu.dma_semaphore, #tpu.memory_space<semaphore_mem>> -> memref<!tpu.dma_semaphore, #tpu.memory_space<semaphore_mem>>
    %dma_wait3A_129 = arith.constant 0 : i32
    %dma_wait3A_130 = tpu.memref_slice %arg4[%mul3A_2, %dma_wait3A_129] : memref<819200x64xf32, #tpu.memory_space<hbm>> -> memref<128x64xf32, #tpu.memory_space<hbm>>
    %dma_wait3A_131 = arith.constant 0 : i32
    %dma_wait3A_132 = arith.constant 0 : i32
    %dma_wait3A_133 = tpu.memref_slice %arg6[%dma_wait3A_119, %dma_wait3A_131, %dma_wait3A_132] : memref<8x128x64xf32, #tpu.memory_space<vmem>> -> memref<1x128x64xf32, #tpu.memory_space<vmem>>
    %dma_wait3A_134 = tpu.memref_squeeze %dma_wait3A_133 : memref<1x128x64xf32, #tpu.memory_space<vmem>> -> memref<128x64xf32, #tpu.memory_space<vmem>>
    tpu.wait_dma2 semaphore(%dma_wait3A_128 : memref<!tpu.dma_semaphore, #tpu.memory_space<semaphore_mem>>) src(%dma_wait3A_134 : memref<128x64xf32, #tpu.memory_space<vmem>>) dst(%dma_wait3A_130 : memref<128x64xf32, #tpu.memory_space<hbm>>)
    return
  }
}

</mosaic_0001>

<sc_bundles>
// kernel: kernel.3.cloned.1.call-start
scs
__scs_entry_jumppad:
0x0: {  	(pc) =	sbr.rel $0x88, $3  }
0x1: {  	(tag) =	ssettag $0x0;
	lr =	simm.s32 $0x1  }
0x2: {  	[smem:$0x3F9F] =	sst lr;
	_ =	strace $0xD0000000  }
0x3: {  	_ = 	snop  }
0x4: {  	_ = 	snop  }
0x5: {  	_ = 	snop  }
0x6: {  	_ = 	snop  }
0x7: {  	_ = 	snop  }
__scs_overlays_trampoline_lowered:
0x8: {  	[smem:$0x3FAE] =	sst s0  }
0x9: {  	[smem:$0x3FAF] =	sst s1  }
0xa: {  	[smem:$0x3FB0] =	sst s2  }
0xb: {  	[smem:$0x3FB1] =	sst s3  }
0xc: {  	[smem:$0x3FB2] =	sst s4  }
0xd: {  	[smem:$0x3FB3] =	sst s5  }
0xe: {  	[smem:$0x3FB4] =	sst s6  }
0xf: {  	[smem:$0x3FB5] =	sst s7  }
0x10: {  	[smem:$0x3FB6] =	sst s8  }
0x11: {  	[smem:$0x3FB7] =	sst s9;
	s0 =	simm.s32 @!p0 $0x0  }
0x12: {  	s1 =	sld [smem:$0x3F9D];
	s0 =	simm.s32 @p0 $0x1  }
0x13: {  	[smem:$0x3FB8] =	sst s0;
	s0 =	simm.s32 @!p1 $0x0  }
0x14: {  	s2 =	sld [smem:$0x3F9C];
	s0 =	simm.s32 @p1 $0x1  }
0x15: {  	[smem:$0x3FB9] =	sst s0;
	s0 =	simm.s32 @!p2 $0x0  }
0x16: {  	s3 =	sld [smem:$0x3FDB];
	s0 =	simm.s32 @p2 $0x1  }
0x17: {  	s4 =	simm.s32 $0x1BF5;
	[smem:$0x3FBB] =	sst s0  }
0x18: {  	s0 =	sld [smem:$0x3F9E];
	_ =	swait.ge [sflag:s4], $0x0  }
0x19: {  	s7 =	sld [smem:$0x3F9F]  }
0x1a: {  	s8 =	sadd.s32 $0xFFFFE003, lr  }
0x1b: {  	s9 =	sadd.s32 $0xFFFFFEF7, lr;
	s5 =	simm.s32 $0xFFFFFFFF;
	p2 =	slt.u32 s8, $0xFFFFF086  }
0x1c: {  	p1 =	slt.u32 s9, $0xF7A;
	s5 =	simm.s32 @!p2 $0x0  }
0x1d: {  	s5 =	simm.s32 @p1 $0x1;
	p0 =	seq.s32 s7, s2  }
0x1e: {  	s7 =	smul.u32 @!p0 $0xF7A, s2;
	p2 =	seq.s32 @!p0 s5, $0x0  }
0x1f: {  	s9 =	smul.u32 $0xF7A, s1;
	s8 =	simm.s32 @!p0 $0x1BF5;
	p2 =	por !p2, p0  }
0x20: {  	[sflag:s8] =	ssyncset.s32 @!p0 $0xFFFFF086;
	s6 =	sadd.s32 @!p0 s3, s7;
	s7 =	simm.s32 @!p0 $0x108  }
0x21: {  	s3 =	sadd.s32 s3, s9;
	s6 =	sadd.s32 @!p0 $0x88, s6;
	s7 =	simm.s32 @p2 $0x1082  }
0x22: {  	[simem:s7], [sflag:s8] =	dma.local @!p0 [hbm:s6], $0xF7A  }
0x23: {  	s9 =	sor.u32 $0xD0000000, s2;
	s6 =	simm.s32 $0x108;
	_ =	swait.ge @!p0 [sflag:s8], $0x0  }
0x24: {  	s3 =	sadd.s32 $0x88, s3;
	s6 =	simm.s32 @!p1 $0x1082;
	[sflag:s4] =	ssyncset.s32 $0xFFFFF086  }
0x25: {  	[simem:s6], [sflag:s4] =	dma.local [hbm:s3], $0xF7A  }
0x26: {  	[smem:$0x3F9F] =	sst s1;
	(tag) =	ssettag s2;
	_ =	strace s9  }
0x27: {  	s1 =	sld [smem:$0x3FAF]  }
0x28: {  	s2 =	sld [smem:$0x3FB0]  }
0x29: {  	s4 =	sld [smem:$0x3FB2]  }
0x2a: {  	p0 =	seq.s32 s5, $0x0;
	s5 =	sld [smem:$0x3FB3]  }
0x2b: {  	s6 =	sld [smem:$0x3FB4]  }
0x2c: {  	s7 =	sld [smem:$0x3FB5]  }
0x2d: {  	s3 =	simm.s32 $0x108;
	s8 =	sld [smem:$0x3FB6]  }
0x2e: {  	s3 =	simm.s32 @!p0 $0x1082;
	s9 =	sld [smem:$0x3FB7]  }
0x2f: {  	lr =	sadd.s32 s0, s3;
	s0 =	sld [smem:$0x3FAE]  }
0x30: {  	s3 =	sld [smem:$0x3FB1]  }
0x31: {  	[smem:$0x3FBA] =	sst s10  }
0x32: {  	s10 =	sld [smem:$0x3FB8];
	_ =	sdelay $0x3  }
0x33: {  	p0 =	seq.s32 s10, $0x1;
	s10 =	sld [smem:$0x3FBA];
	_ =	sdelay $0x3  }
0x34: {  	[smem:$0x3FBA] =	sst s10  }
0x35: {  	s10 =	sld [smem:$0x3FB9];
	_ =	sdelay $0x3  }
0x36: {  	p1 =	seq.s32 s10, $0x1;
	s10 =	sld [smem:$0x3FBA];
	_ =	sdelay $0x3  }
0x37: {  	[smem:$0x3FBA] =	sst s10  }
0x38: {  	s10 =	sld [smem:$0x3FBB]  }
0x39: {  	_ = 	snop;
	(pc) =	sbr.ind lr, $3  }
0x3a: {  	_ = 	snop  }
0x3b: {  	_ = 	snop  }
0x3c: {  	p2 =	seq.s32 s10, $0x1;
	s10 =	sld [smem:$0x3FBA]  }
0x3d: {  	_ =	shalt  }
0x3e: {  	_ =	shalt  }
0x3f: {  	_ =	shalt  }
0x40: {  	_ =	shalt  }
0x41: {  	_ =	shalt  }
0x42: {  	_ =	shalt  }
0x43: {  	_ =	shalt  }
0x44: {  	_ =	shalt  }
0x45: {  	_ =	shalt  }
0x46: {  	_ =	shalt  }
0x47: {  	_ =	shalt  }
0x48: {  	_ =	shalt  }
0x49: {  	_ =	shalt  }
0x4a: {  	_ =	shalt  }
0x4b: {  	_ =	shalt  }
0x4c: {  	_ =	shalt  }
0x4d: {  	_ =	shalt  }
0x4e: {  	_ =	shalt  }
0x4f: {  	_ =	shalt  }
0x50: {  	_ =	shalt  }
0x51: {  	_ =	shalt  }
0x52: {  	_ =	shalt  }
0x53: {  	_ =	shalt  }
0x54: {  	_ =	shalt  }
0x55: {  	_ =	shalt  }
0x56: {  	_ =	shalt  }
0x57: {  	_ =	shalt  }
0x58: {  	_ =	shalt  }
0x59: {  	_ =	shalt  }
0x5a: {  	_ =	shalt  }
0x5b: {  	_ =	shalt  }
0x5c: {  	_ =	shalt  }
0x5d: {  	_ =	shalt  }
0x5e: {  	_ =	shalt  }
0x5f: {  	_ =	shalt  }
0x60: {  	_ =	shalt  }
0x61: {  	_ =	shalt  }
0x62: {  	_ =	shalt  }
0x63: {  	_ =	shalt  }
0x64: {  	_ =	shalt  }
0x65: {  	_ =	shalt  }
0x66: {  	_ =	shalt  }
0x67: {  	_ =	shalt  }
0x68: {  	_ =	shalt  }
0x69: {  	_ =	shalt  }
0x6a: {  	_ =	shalt  }
0x6b: {  	_ =	shalt  }
0x6c: {  	_ =	shalt  }
0x6d: {  	_ =	shalt  }
0x6e: {  	_ =	shalt  }
0x6f: {  	_ =	shalt  }
0x70: {  	_ =	shalt  }
0x71: {  	_ =	shalt  }
0x72: {  	_ =	shalt  }
0x73: {  	_ =	shalt  }
0x74: {  	_ =	shalt  }
0x75: {  	_ =	shalt  }
0x76: {  	_ =	shalt  }
0x77: {  	_ =	shalt  }
0x78: {  	_ =	shalt  }
0x79: {  	_ =	shalt  }
0x7a: {  	_ =	shalt  }
0x7b: {  	_ =	shalt  }
0x7c: {  	_ =	shalt  }
0x7d: {  	_ =	shalt  }
0x7e: {  	_ =	shalt  }
0x7f: {  	_ =	shalt  }
0x80: {  	_ =	shalt  }
0x81: {  	_ =	shalt  }
0x82: {  	_ =	shalt  }
0x83: {  	_ =	shalt  }
0x84: {  	_ =	shalt  }
0x85: {  	_ =	shalt  }
0x86: {  	_ =	shalt  }
0x87: {  	_ =	shalt  }
.Lfunc_end0:
.L_simem_size_0:
called_computation.1_lowered:
.L_overlay_start_0:
0x88: {  	s2 =	sld [smem:$0x3FD9]  }
0x89: {  	s3 =	sld [smem:$0x3FFE];
	_ =	sdelay $0x1  }
0x8a: {  	s1 =	srdreg.scid  }
0x8b: {  	s0 =	sand.u32 $0x1, s1  }
0x8c: {  	s17 =	sshll.u32 s0, $0xA;
	s2 =	sadd.s32 s3, s2  }
0x8d: {  	s2 =	sadd.s32 s2, s17  }
0x8e: {  	[smem:$0x3FC6] =	sst s2  }
0x8f: {  	_ = 	snop  }
0x90: {  	s2 =	sld [smem:$0x3FD0];
	(tm) =	ssettm $0x1  }
0x91: {  	s18 =	sld [smem:$0x3FFB];
	_ =	sdelay $0x3  }
0x92: {  	_ =	strace s18  }
0x93: {  	s3 =	sld [smem:$0x3FFC];
	_ =	sdelay $0x3  }
0x94: {  	_ =	strace s3  }
0x95: {  	s3 =	sld [smem:$0x3FFD];
	_ =	sdelay $0x3  }
0x96: {  	_ =	strace s3  }
0x97: {  	_ =	strace $0x8FFFFFFF  }
0x98: {  	s19 =	sld [smem:$0x3FDB];
	_ =	sdelay $0x1  }
0x99: {  	s4 =	simm.s32 $_scs_section_size  }
0x9a: {  	s5 =	simm.s32 $_size__tile_overlayer_lowered;
	s6 =	simm.s32 $_tile_overlayer_lowered  }
0x9b: {  	s22 =	simm.s32 $0x1BFF;
	s21 =	sshll.u32 s6, $0x1;
	s3 =	sadd.s32 s4, s19  }
0x9c: {  	s7 =	simm.s32 $0x0;
	s20 =	sshll.u32 s5, $0x1;
	s5 =	sadd.s32 s21, s3  }
0x9d: {  	[timem:s7], [sflag:s22] =	dma.local [hbm:s5], s20  }
0x9e: {  	_ =	swait.ge [sflag:s22], s20  }
0x9f: {  	s4 =	ssub.s32 $0x0, s20;
	[sflag:s22] =	ssyncset.done $0x0  }
0xa0: {  	[sflag:s22] =	ssyncadd.s32 s4;
	_ =	sdelay $0x1  }
0xa1: {  	s23 =	simm.s32 $0x1B8B  }
0xa2: {  	_ =	swait.ge [sflag:s23], $0x1  }
0xa3: {  	[sflag:s23] =	ssyncset.done $0x0  }
0xa4: {  	s25 =	simm.s32 $0x1B8E;
	s24 =	sld [smem:$0x3FFE];
	[sflag:s23] =	ssyncadd.s32 $0xFFFFFFFF  }
0xa5: {  	s26 =	simm.s32 $execute0_lowered;
	[smem:$0x3FD2] =	sst s25  }
0xa6: {  	s5 =	sshll.u32 s26, $0x1;
	_ =	strace $0x80000046;
	[dreg:$0x1] =	wrdreg $0xFFFFFFFF  }
0xa7: {  	s28 =	simm.s32 $_size_execute0_lowered;
	s3 =	sadd.s32 s3, s5;
	[dreg:$0x0] =	wrdreg $0x0  }
0xa8: {  	s5 =	sshll.u32 s28, $0x1;
	[dreg:$0x2] =	wrdreg s3  }
0xa9: {  	[dreg:$0x3] =	wrdreg s5  }
0xaa: {  	[dreg:$0x4] =	wrdreg $0xC0  }
0xab: {  	_ =	task [dreg:s7], $0x5FFFF  }
0xac: {  	[dreg:$0x1] =	wrdreg $0xFFFFFFFF  }
0xad: {  	[dreg:$0x0] =	wrdreg $0x60  }
0xae: {  	[dreg:$0x2] =	wrdreg s24  }
0xaf: {  	[dreg:$0x3] =	wrdreg s2  }
0xb0: {  	[dreg:$0x4] =	wrdreg $0x9  }
0xb1: {  	_ =	task.clear_ibuf [dreg:s7], $0x5FFFF;
	_ =	strace $0x90000046  }
0xb2: {  	s29 =	simm.s32 $0x9;
	_ =	strace $0x80000048  }
0xb3: {  	_ =	swait.ge [sflag:s29], $0x1  }
0xb4: {  	[sflag:s29] =	ssyncadd.s32 $0xFFFFFFFF  }
0xb5: {  	_ =	strace $0x90000048  }
0xb6: {  	_ =	sfence  }
0xb7: {  	s30 =	sld [smem:$0x0];
	_ =	sdelay $0x2  }
0xb8: {  	s31 =	sshll.u32 s1, $0xD;
	s1 =	sshrl.u32 s1, $0x2  }
0xb9: {  	s3 =	sand.u32 $0x4000, s31;
	s1 =	sadd.s32 s1, s30  }
0xba: {  	s0 =	sor.u32 s3, s0;
	s1 =	sshll.u32 s1, $0x11  }
0xbb: {  	s0 =	sor.u32 s1, s0  }
0xbc: {  	s0 =	sadd.s32 $0x8F2B, s0  }
0xbd: {  	[sflag:s0] =	ssyncadd.remote.s32 $0x1  }
0xbe: {  	_ =	sfence.sel $0xFFFF  }
0xbf: {  	[dreg:$0x0] =	wrdreg $0xFFFFFFFF;
	(pc) =	sbr.abs _section_cstart, $3  }
0xc0: {  	[dreg:$0x1] =	wrdreg $0xFFFFFFFF  }
0xc1: {  	_ =	task.clear_ibuf [dreg:s7], $0x2FFFF;
	_ =	strace $0x9FFFFFFF  }
0xc2: {  	(tm) =	ssettm $0x7FFFFFFF  }
0xc3: {  	_ =	shalt  }
tec
execute0_lowered:
.L_overlay_start_1:
0x0: {  	(tag) =	ssettag $0x1  }
0x1: {  	s0 =	srdreg.scid  }
0x2: {  	s9 =	stileid.u32;
	s1 =	rddreg [dreg:$0x0]  }
0x3: {  	s2 =	rddreg [dreg:$0x1];
	s22 =	simm.s32 $0x80;
	s10 =	simm.s32 $0x14400  }
0x4: {  	s23 =	simm.s32 $0x6400;
	s11 =	simm.s32 $0x1;
	s24 =	simm.s32 $0x8400  }
0x5: {  	s12 =	simm.s32 $0x2;
	s0 =	sand.u32 $0x1, s0;
	s3 =	sshll.u32 s9, $0x1  }
0x6: {  	s25 =	simm.s32 $0xA400;
	s4 =	sor.u32 s0, s3;
	s3 =	simm.s32 $0x0  }
0x7: {  	s13 =	simm.s32 $0x3;
	s26 =	simm.s32 $0xC400;
	[smem:$0x7FF] =	sst s3  }
0x8: {  	s14 =	simm.s32 $0x4;
	_ =	strace $0x80000047;
	[dreg:$0x3] =	wrdreg s22  }
0x9: {  	s29 =	simm.s32 $0xE400;
	s15 =	simm.s32 $0x5;
	[dreg:$0x4] =	wrdreg s23  }
0xa: {  	s30 =	simm.s32 $0x10400;
	s16 =	simm.s32 $0x6;
	[dreg:$0x5] =	wrdreg s24  }
0xb: {  	s31 =	simm.s32 $0x12400;
	s17 =	simm.s32 $0x7;
	[dreg:$0x6] =	wrdreg s25  }
0xc: {  	s18 =	simm.s32 $0x8;
	s9 =	smul.u32 $0x64000, s9;
	[dreg:$0x7] =	wrdreg s26  }
0xd: {  	s6 =	ssub.s32 $0x2, s0;
	s4 =	smul.u32 $0x6400, s4;
	[dreg:$0x8] =	wrdreg s29  }
0xe: {  	s0 =	smul.u32 $0x32000, s0;
	s8 =	sshrl.u32 s6, $0x1;
	[dreg:$0x9] =	wrdreg s30  }
0xf: {  	s19 =	ssub.s32 s6, s8;
	[dreg:$0xa] =	wrdreg s31;
	s5 =	sshrl.u32 s4, $0x3  }
0x10: {  	s7 =	sadd.s32 s5, s1;
	s5 =	sadd.s32 $0x19800, s1;
	s1 =	smax.u32 s19, $0x1  }
0x11: {  	s21 =	sadd.s32 s9, s2;
	s20 =	sadd.s32 $0x800, s7;
	[dreg:$0xc] =	wrdreg s1  }
0x12: {  	s28 =	simm.s32 $0x0;
	s8 =	sadd.s32 s0, s21;
	[dreg:$0xb] =	wrdreg s20  }
.LBB2_1:
0x13: {  	s0 =	rddreg [dreg:$0xb];
	s9 =	simm.s32 $0x11  }
0x14: {  	[tilespmem:s3], [sflag:$0x11] =	stream.linear.gather [hbm4b:s0+s3], $0x6400, $0x38;
	[tilespmem:$0x16400] =	vst v63  }
0x15: {  	_ =	swait.ge [sflag:s9], $0x6400  }
0x16: {  	p0 =	por $0x0, $0x0;
	[sflag:s9] =	ssyncset.done $0x0  }
0x17: {  	s0 =	simm.s32 @p0 $0x9;
	[sflag:s9] =	ssyncadd.s32 $0xFFFF9C00  }
0x18: {  	_ =	swait.ge @p0 [sflag:s0], $0x2000  }
0x19: {  	s1 =	simm.s32 @p0 $0xA;
	[sflag:s0] =	ssyncset.done @p0 $0x0  }
0x1a: {  	s6 =	simm.s32 @p0 $0x80;
	s7 =	simm.s32 @p0 $0x6400;
	[sflag:s0] =	ssyncadd.s32 @p0 $0xFFFFE000  }
0x1b: {  	[tilespmem:s7], [sflag:$0x1] =	stream.indirect.gather @p0 [hbm4b:s5+s6], $0x40, s3, s6, $0xb8;
	[tilespmem:$0x16400] =	vst v63  }
0x1c: {  	_ =	swait.ge @p0 [sflag:s1], $0x2000  }
0x1d: {  	s0 =	simm.s32 @p0 $0x80;
	[sflag:s1] =	ssyncset.done @p0 $0x0  }
0x1e: {  	s7 =	simm.s32 @p0 $0x8400;
	[sflag:s1] =	ssyncadd.s32 @p0 $0xFFFFE000;
	s1 =	simm.s32 @p0 $0xB  }
0x1f: {  	[tilespmem:s7], [sflag:$0x2] =	stream.indirect.gather @p0 [hbm4b:s5+s6], $0x40, s0, s6, $0xb8;
	[tilespmem:$0x16400] =	vst v63  }
0x20: {  	_ =	swait.ge @p0 [sflag:s1], $0x2000  }
0x21: {  	s0 =	simm.s32 @p0 $0x100;
	[sflag:s1] =	ssyncset.done @p0 $0x0  }
0x22: {  	s7 =	simm.s32 @p0 $0xA400;
	[sflag:s1] =	ssyncadd.s32 @p0 $0xFFFFE000;
	s1 =	simm.s32 @p0 $0xC  }
0x23: {  	[tilespmem:s7], [sflag:$0x3] =	stream.indirect.gather @p0 [hbm4b:s5+s6], $0x40, s0, s6, $0xb8;
	[tilespmem:$0x16400] =	vst v63  }
0x24: {  	_ =	swait.ge @p0 [sflag:s1], $0x2000  }
0x25: {  	s0 =	simm.s32 @p0 $0x180;
	[sflag:s1] =	ssyncset.done @p0 $0x0  }
0x26: {  	s7 =	simm.s32 @p0 $0xC400;
	[sflag:s1] =	ssyncadd.s32 @p0 $0xFFFFE000;
	s1 =	simm.s32 @p0 $0xD  }
0x27: {  	[tilespmem:s7], [sflag:$0x4] =	stream.indirect.gather @p0 [hbm4b:s5+s6], $0x40, s0, s6, $0xb8;
	[tilespmem:$0x16400] =	vst v63  }
0x28: {  	_ =	swait.ge @p0 [sflag:s1], $0x2000  }
0x29: {  	s0 =	simm.s32 @p0 $0x200;
	[sflag:s1] =	ssyncset.done @p0 $0x0  }
0x2a: {  	s7 =	simm.s32 @p0 $0xE400;
	[sflag:s1] =	ssyncadd.s32 @p0 $0xFFFFE000;
	s1 =	simm.s32 @p0 $0xE  }
0x2b: {  	[tilespmem:s7], [sflag:$0x5] =	stream.indirect.gather @p0 [hbm4b:s5+s6], $0x40, s0, s6, $0xb8;
	[tilespmem:$0x16400] =	vst v63  }
0x2c: {  	_ =	swait.ge @p0 [sflag:s1], $0x2000  }
0x2d: {  	s0 =	simm.s32 @p0 $0x280;
	[sflag:s1] =	ssyncset.done @p0 $0x0  }
0x2e: {  	s7 =	simm.s32 @p0 $0x10400;
	[sflag:s1] =	ssyncadd.s32 @p0 $0xFFFFE000;
	s1 =	simm.s32 @p0 $0xF  }
0x2f: {  	[tilespmem:s7], [sflag:$0x6] =	stream.indirect.gather @p0 [hbm4b:s5+s6], $0x40, s0, s6, $0xb8;
	[tilespmem:$0x16400] =	vst v63  }
0x30: {  	_ =	swait.ge @p0 [sflag:s1], $0x2000  }
0x31: {  	s0 =	simm.s32 @p0 $0x300;
	[sflag:s1] =	ssyncset.done @p0 $0x0  }
0x32: {  	s7 =	simm.s32 @p0 $0x12400;
	[sflag:s1] =	ssyncadd.s32 @p0 $0xFFFFE000;
	s1 =	simm.s32 @p0 $0x10  }
0x33: {  	[tilespmem:s7], [sflag:$0x7] =	stream.indirect.gather @p0 [hbm4b:s5+s6], $0x40, s0, s6, $0xb8;
	[tilespmem:$0x16400] =	vst v63  }
0x34: {  	_ =	swait.ge @p0 [sflag:s1], $0x2000  }
0x35: {  	[sflag:s1] =	ssyncset.done @p0 $0x0  }
0x36: {  	s0 =	simm.s32 @!p0 $0x80;
	s6 =	simm.s32 @!p0 $0x6400;
	[sflag:s1] =	ssyncadd.s32 @p0 $0xFFFFE000  }
0x37: {  	[tilespmem:s6], [sflag:$0x1] =	stream.indirect.gather @!p0 [hbm4b:s5+s0], $0x40, s3, s0, $0xb8;
	[tilespmem:$0x16400] =	vst v63  }
0x38: {  	s1 =	simm.s32 @!p0 $0x8400  }
0x39: {  	[tilespmem:s1], [sflag:$0x2] =	stream.indirect.gather @!p0 [hbm4b:s5+s0], $0x40, s0, s0, $0xb8;
	[tilespmem:$0x16400] =	vst v63  }
0x3a: {  	s6 =	simm.s32 @!p0 $0xA400;
	s1 =	simm.s32 @!p0 $0x100  }
0x3b: {  	[tilespmem:s6], [sflag:$0x3] =	stream.indirect.gather @!p0 [hbm4b:s5+s0], $0x40, s1, s0, $0xb8;
	[tilespmem:$0x16400] =	vst v63  }
0x3c: {  	s1 =	simm.s32 @!p0 $0x180;
	s6 =	simm.s32 @!p0 $0xC400  }
0x3d: {  	[tilespmem:s6], [sflag:$0x4] =	stream.indirect.gather @!p0 [hbm4b:s5+s0], $0x40, s1, s0, $0xb8;
	[tilespmem:$0x16400] =	vst v63  }
0x3e: {  	s29 =	simm.s32 $0x780;
	s1 =	simm.s32 @!p0 $0x200;
	s6 =	simm.s32 @!p0 $0xE400  }
0x3f: {  	[tilespmem:s6], [sflag:$0x5] =	stream.indirect.gather @!p0 [hbm4b:s5+s0], $0x40, s1, s0, $0xb8;
	[tilespmem:$0x16400] =	vst v63  }
0x40: {  	s30 =	sadd.s32 $0x2000, s8;
	s7 =	simm.s32 @!p0 $0x10400;
	s6 =	simm.s32 @!p0 $0x280  }
0x41: {  	[tilespmem:s7], [sflag:$0x6] =	stream.indirect.gather @!p0 [hbm4b:s5+s0], $0x40, s6, s0, $0xb8;
	[tilespmem:$0x16400] =	vst v63  }
0x42: {  	s31 =	simm.s32 $0x400;
	s6 =	simm.s32 @!p0 $0x300;
	s7 =	simm.s32 @!p0 $0x12400  }
0x43: {  	[tilespmem:s7], [sflag:$0x7] =	stream.indirect.gather @!p0 [hbm4b:s5+s0], $0x40, s6, s0, $0xb8;
	[tilespmem:$0x16400] =	vst v63  }
0x44: {  	s9 =	rddreg [dreg:$0x3];
	s1 =	simm.s32 $0x380;
	s6 =	simm.s32 @p0 $0x80  }
0x45: {  	s1 =	simm.s32 @!p0 $0x380;
	s7 =	simm.s32 @p0 $0x100;
	s6 =	simm.s32 @!p0 $0x80  }
0x46: {  	[tilespmem:s10], [sflag:$0x8] =	stream.indirect.gather [hbm4b:s5+s9], $0x40, s1, s9, $0xb8;
	[tilespmem:$0x16400] =	vst v63  }
0x47: {  	s7 =	simm.s32 @!p0 $0x100;
	s9 =	simm.s32 @p0 $0x180;
	s20 =	sadd.s32 s4, s6  }
0x48: {  	s22 =	sadd.s32 s4, s7;
	s1 =	sadd.s32 s4, s1;
	_ =	swait.ge [sflag:s11], $0x2000  }
0x49: {  	s9 =	simm.s32 @!p0 $0x180;
	s0 =	sshll.u32 s20, $0x3;
	s20 =	simm.s32 @p0 $0x280  }
0x4a: {  	s6 =	sshll.u32 s22, $0x3;
	s19 =	rddreg [dreg:$0x4];
	s0 =	sand.u32 $0x1FFFE400, s0  }
0x4b: {  	[sflag:s11] =	ssyncset.done $0x0;
	s20 =	simm.s32 @!p0 $0x280;
	s6 =	sand.u32 $0x1FFFE800, s6  }
0x4c: {  	s25 =	sadd.s32 s4, s9;
	[sflag:s11] =	ssyncadd.s32 $0xFFFFE000;
	s0 =	sadd.s32 s2, s0  }
0x4d: {  	s6 =	sadd.s32 s2, s6;
	s26 =	sadd.s32 s4, s20;
	s7 =	sshll.u32 s25, $0x3  }
0x4e: {  	[hbm4b:s8+s3] =	stream.linear.scatter [tilespmem:s19], [sflag:$0x9], $0x2000, $0x38;
	[tilespmem:$0x16400] =	vst v63  }
0x4f: {  	s25 =	sshll.u32 s1, $0x3;
	s1 =	simm.s32 $0xB80;
	_ =	swait.ge [sflag:s12], $0x2000  }
0x50: {  	s19 =	simm.s32 @p0 $0x200;
	s7 =	sand.u32 $0x1FFFEC00, s7;
	[sflag:s12] =	ssyncset.done $0x0  }
0x51: {  	s19 =	simm.s32 @!p0 $0x200;
	s21 =	rddreg [dreg:$0x5];
	[sflag:s12] =	ssyncadd.s32 $0xFFFFE000  }
0x52: {  	[hbm4b:s0+s3] =	stream.linear.scatter [tilespmem:s21], [sflag:$0xA], $0x2000, $0x38;
	[tilespmem:$0x16400] =	vst v63  }
0x53: {  	s7 =	sadd.s32 s2, s7;
	s19 =	sadd.s32 s4, s19;
	_ =	swait.ge [sflag:s13], $0x2000  }
0x54: {  	s24 =	sshll.u32 s19, $0x3;
	s0 =	simm.s32 @p0 $0x300;
	[sflag:s13] =	ssyncset.done $0x0  }
0x55: {  	s21 =	sshll.u32 s26, $0x3;
	s23 =	rddreg [dreg:$0x6];
	[sflag:s13] =	ssyncadd.s32 $0xFFFFE000  }
0x56: {  	[hbm4b:s6+s3] =	stream.linear.scatter [tilespmem:s23], [sflag:$0xB], $0x2000, $0x38;
	[tilespmem:$0x16400] =	vst v63  }
0x57: {  	s0 =	simm.s32 @!p0 $0x300;
	p0 =	por $0x1, $0x1;
	_ =	swait.ge [sflag:s14], $0x2000  }
0x58: {  	s22 =	sadd.s32 s4, s0;
	s0 =	sand.u32 $0x1FFFF400, s21;
	[sflag:s14] =	ssyncset.done $0x0  }
0x59: {  	s6 =	sand.u32 $0x1FFFF000, s24;
	s20 =	rddreg [dreg:$0x7];
	[sflag:s14] =	ssyncadd.s32 $0xFFFFE000  }
0x5a: {  	[hbm4b:s7+s3] =	stream.linear.scatter [tilespmem:s20], [sflag:$0xC], $0x2000, $0x38;
	[tilespmem:$0x16400] =	vst v63  }
0x5b: {  	s23 =	sshll.u32 s22, $0x3;
	s22 =	sand.u32 $0x1FFFFC00, s25;
	_ =	swait.ge [sflag:s15], $0x2000  }
0x5c: {  	s26 =	sadd.s32 s2, s6;
	s7 =	sand.u32 $0x1FFFF800, s23;
	[sflag:s15] =	ssyncset.done $0x0  }
0x5d: {  	s21 =	sadd.s32 s2, s7;
	s24 =	rddreg [dreg:$0x8];
	[sflag:s15] =	ssyncadd.s32 $0xFFFFE000  }
0x5e: {  	[hbm4b:s26+s3] =	stream.linear.scatter [tilespmem:s24], [sflag:$0xD], $0x2000, $0x38;
	[tilespmem:$0x16400] =	vst v63  }
.LBB2_2:
0x5f: {  	_ =	swait.ge [sflag:s16], $0x2000  }
0x60: {  	s6 =	sadd.s32 @p0 $0xFFFFFD00, s29;
	[sflag:s16] =	ssyncset.done $0x0  }
0x61: {  	s0 =	sadd.s32 s2, s0;
	s9 =	rddreg [dreg:$0x9];
	[sflag:s16] =	ssyncadd.s32 $0xFFFFE000  }
0x62: {  	[hbm4b:s0+s3] =	stream.linear.scatter [tilespmem:s9], [sflag:$0xE], $0x2000, $0x38;
	[tilespmem:$0x16400] =	vst v63  }
0x63: {  	s6 =	simm.s32 @!p0 $0x80;
	_ =	swait.ge [sflag:s17], $0x2000  }
0x64: {  	s6 =	sadd.s32 s4, s6;
	[sflag:s17] =	ssyncset.done $0x0  }
0x65: {  	s9 =	sshll.u32 s6, $0x3;
	s6 =	rddreg [dreg:$0xa];
	[sflag:s17] =	ssyncadd.s32 $0xFFFFE000  }
0x66: {  	[hbm4b:s21+s3] =	stream.linear.scatter [tilespmem:s6], [sflag:$0xF], $0x2000, $0x38;
	[tilespmem:$0x16400] =	vst v63  }
0x67: {  	s25 =	sadd.s32 @p0 $0xFFFFFE80, s29;
	_ =	swait.ge [sflag:s18], $0x2000  }
0x68: {  	s23 =	simm.s32 @p0 $0x9;
	s25 =	simm.s32 @!p0 $0x200;
	[sflag:s18] =	ssyncset.done $0x0  }
0x69: {  	s21 =	sadd.s32 s4, s25;
	s25 =	sadd.s32 s2, s22;
	[sflag:s18] =	ssyncadd.s32 $0xFFFFE000  }
0x6a: {  	[hbm4b:s25+s3] =	stream.linear.scatter [tilespmem:s10], [sflag:$0x10], $0x2000, $0x38;
	[tilespmem:$0x16400] =	vst v63  }
0x6b: {  	s24 =	simm.s32 @p0 $0xA;
	_ =	swait.ge @p0 [sflag:s23], $0x2000  }
0x6c: {  	s26 =	sadd.s32 @p0 $0xFFFFFF80, s29;
	s22 =	simm.s32 @p0 $0x80;
	[sflag:s23] =	ssyncset.done @p0 $0x0  }
0x6d: {  	s6 =	sshll.u32 s21, $0x3;
	s21 =	simm.s32 @p0 $0x6400;
	[sflag:s23] =	ssyncadd.s32 @p0 $0xFFFFE000  }
0x6e: {  	[tilespmem:s21], [sflag:$0x1] =	stream.indirect.gather @p0 [hbm4b:s5+s22], $0x40, s31, s22, $0xb8;
	[tilespmem:$0x16400] =	vst v63  }
0x6f: {  	s26 =	simm.s32 @!p0 $0x300;
	s25 =	sadd.s32 @p0 $0x80, s31;
	_ =	swait.ge @p0 [sflag:s24], $0x2000  }
0x70: {  	s23 =	sadd.s32 s4, s26;
	s26 =	simm.s32 @p0 $0x8400;
	[sflag:s24] =	ssyncset.done @p0 $0x0  }
0x71: {  	s21 =	sshll.u32 s23, $0x3;
	s23 =	simm.s32 @p0 $0xB;
	[sflag:s24] =	ssyncadd.s32 @p0 $0xFFFFE000  }
0x72: {  	[tilespmem:s26], [sflag:$0x2] =	stream.indirect.gather @p0 [hbm4b:s5+s22], $0x40, s25, s22, $0xb8;
	[tilespmem:$0x16400] =	vst v63  }
0x73: {  	_ =	swait.ge @p0 [sflag:s23], $0x2000  }
0x74: {  	s24 =	sadd.s32 @p0 $0x100, s31;
	[sflag:s23] =	ssyncset.done @p0 $0x0  }
0x75: {  	s25 =	simm.s32 @p0 $0xA400;
	[sflag:s23] =	ssyncadd.s32 @p0 $0xFFFFE000;
	s23 =	simm.s32 @p0 $0xC  }
0x76: {  	[tilespmem:s25], [sflag:$0x3] =	stream.indirect.gather @p0 [hbm4b:s5+s22], $0x40, s24, s22, $0xb8;
	[tilespmem:$0x16400] =	vst v63  }
0x77: {  	_ =	swait.ge @p0 [sflag:s23], $0x2000  }
0x78: {  	s24 =	sadd.s32 @p0 $0x180, s31;
	[sflag:s23] =	ssyncset.done @p0 $0x0  }
0x79: {  	s25 =	simm.s32 @p0 $0xC400;
	[sflag:s23] =	ssyncadd.s32 @p0 $0xFFFFE000;
	s23 =	simm.s32 @p0 $0xD  }
0x7a: {  	[tilespmem:s25], [sflag:$0x4] =	stream.indirect.gather @p0 [hbm4b:s5+s22], $0x40, s24, s22, $0xb8;
	[tilespmem:$0x16400] =	vst v63  }
0x7b: {  	_ =	swait.ge @p0 [sflag:s23], $0x2000  }
0x7c: {  	s24 =	sadd.s32 @p0 $0x200, s31;
	[sflag:s23] =	ssyncset.done @p0 $0x0  }
0x7d: {  	s25 =	simm.s32 @p0 $0xE400;
	[sflag:s23] =	ssyncadd.s32 @p0 $0xFFFFE000;
	s23 =	simm.s32 @p0 $0xE  }
0x7e: {  	[tilespmem:s25], [sflag:$0x5] =	stream.indirect.gather @p0 [hbm4b:s5+s22], $0x40, s24, s22, $0xb8;
	[tilespmem:$0x16400] =	vst v63  }
0x7f: {  	_ =	swait.ge @p0 [sflag:s23], $0x2000  }
0x80: {  	s24 =	sadd.s32 @p0 $0x280, s31;
	[sflag:s23] =	ssyncset.done @p0 $0x0  }
0x81: {  	s25 =	simm.s32 @p0 $0x10400;
	[sflag:s23] =	ssyncadd.s32 @p0 $0xFFFFE000;
	s23 =	simm.s32 @p0 $0xF  }
0x82: {  	[tilespmem:s25], [sflag:$0x6] =	stream.indirect.gather @p0 [hbm4b:s5+s22], $0x40, s24, s22, $0xb8;
	[tilespmem:$0x16400] =	vst v63  }
0x83: {  	_ =	swait.ge @p0 [sflag:s23], $0x2000  }
0x84: {  	s24 =	sadd.s32 @p0 $0x300, s31;
	[sflag:s23] =	ssyncset.done @p0 $0x0  }
0x85: {  	s25 =	simm.s32 @p0 $0x12400;
	[sflag:s23] =	ssyncadd.s32 @p0 $0xFFFFE000;
	s23 =	simm.s32 @p0 $0x10  }
0x86: {  	[tilespmem:s25], [sflag:$0x7] =	stream.indirect.gather @p0 [hbm4b:s5+s22], $0x40, s24, s22, $0xb8;
	[tilespmem:$0x16400] =	vst v63  }
0x87: {  	_ =	swait.ge @p0 [sflag:s23], $0x2000  }
0x88: {  	[sflag:s23] =	ssyncset.done @p0 $0x0  }
0x89: {  	s22 =	simm.s32 @!p0 $0x80;
	s24 =	simm.s32 @!p0 $0x6400;
	[sflag:s23] =	ssyncadd.s32 @p0 $0xFFFFE000  }
0x8a: {  	[tilespmem:s24], [sflag:$0x1] =	stream.indirect.gather @!p0 [hbm4b:s5+s22], $0x40, s31, s22, $0xb8;
	[tilespmem:$0x16400] =	vst v63  }
0x8b: {  	s23 =	simm.s32 @!p0 $0x8400  }
0x8c: {  	[tilespmem:s23], [sflag:$0x2] =	stream.indirect.gather @!p0 [hbm4b:s5+s22], $0x40, s22, s22, $0xb8;
	[tilespmem:$0x16400] =	vst v63  }
0x8d: {  	s24 =	simm.s32 @!p0 $0xA400;
	s23 =	simm.s32 @!p0 $0x100  }
0x8e: {  	[tilespmem:s24], [sflag:$0x3] =	stream.indirect.gather @!p0 [hbm4b:s5+s22], $0x40, s23, s22, $0xb8;
	[tilespmem:$0x16400] =	vst v63  }
0x8f: {  	s23 =	simm.s32 @!p0 $0x180;
	s24 =	simm.s32 @!p0 $0xC400  }
0x90: {  	[tilespmem:s24], [sflag:$0x4] =	stream.indirect.gather @!p0 [hbm4b:s5+s22], $0x40, s23, s22, $0xb8;
	[tilespmem:$0x16400] =	vst v63  }
0x91: {  	s19 =	smov.u32 s1;
	s23 =	simm.s32 @!p0 $0x200;
	s24 =	simm.s32 @!p0 $0xE400  }
0x92: {  	[tilespmem:s24], [sflag:$0x5] =	stream.indirect.gather @!p0 [hbm4b:s5+s22], $0x40, s23, s22, $0xb8;
	[tilespmem:$0x16400] =	vst v63  }
0x93: {  	s20 =	sadd.s32 @p0 $0xFFFFFD80, s29;
	s23 =	simm.s32 @!p0 $0x280;
	s24 =	simm.s32 @!p0 $0x10400  }
0x94: {  	[tilespmem:s24], [sflag:$0x6] =	stream.indirect.gather @!p0 [hbm4b:s5+s22], $0x40, s23, s22, $0xb8;
	[tilespmem:$0x16400] =	vst v63  }
0x95: {  	s7 =	sadd.s32 @p0 $0xFFFFFE00, s29;
	s23 =	simm.s32 @!p0 $0x300;
	s24 =	simm.s32 @!p0 $0x12400  }
0x96: {  	[tilespmem:s24], [sflag:$0x7] =	stream.indirect.gather @!p0 [hbm4b:s5+s22], $0x40, s23, s22, $0xb8;
	[tilespmem:$0x16400] =	vst v63  }
0x97: {  	s1 =	sadd.s32 $0x400, s1;
	s20 =	simm.s32 @!p0 $0x100;
	s22 =	smov.u32 s29  }
0x98: {  	s7 =	simm.s32 @!p0 $0x180;
	s26 =	rddreg [dreg:$0x3];
	s22 =	simm.s32 @!p0 $0x380  }
0x99: {  	[tilespmem:s10], [sflag:$0x8] =	stream.indirect.gather [hbm4b:s5+s26], $0x40, s22, s26, $0xb8;
	[tilespmem:$0x16400] =	vst v63  }
0x9a: {  	p1 =	sne.s32 s1, $0x6780;
	s7 =	sadd.s32 s4, s7;
	_ =	swait.ge [sflag:s11], $0x2000  }
0x9b: {  	s0 =	sadd.s32 @p0 $0xFFFFFF00, s29;
	s7 =	sshll.u32 s7, $0x3;
	[sflag:s11] =	ssyncset.done $0x0  }
0x9c: {  	s9 =	sand.u32 $0x1FFFE400, s9;
	s26 =	rddreg [dreg:$0x4];
	[sflag:s11] =	ssyncadd.s32 $0xFFFFE000  }
0x9d: {  	[hbm4b:s30+s3] =	stream.linear.scatter [tilespmem:s26], [sflag:$0x9], $0x2000, $0x38;
	[tilespmem:$0x16400] =	vst v63  }
0x9e: {  	s0 =	simm.s32 @!p0 $0x280;
	s7 =	sand.u32 $0x1FFFEC00, s7;
	_ =	swait.ge [sflag:s12], $0x2000  }
0x9f: {  	s0 =	sadd.s32 s4, s0;
	s9 =	sadd.s32 s2, s9;
	[sflag:s12] =	ssyncset.done $0x0  }
0xa0: {  	s24 =	sadd.s32 s4, s20;
	s23 =	rddreg [dreg:$0x5];
	[sflag:s12] =	ssyncadd.s32 $0xFFFFE000  }
0xa1: {  	[hbm4b:s9+s3] =	stream.linear.scatter [tilespmem:s23], [sflag:$0xA], $0x2000, $0x38;
	[tilespmem:$0x16400] =	vst v63  }
0xa2: {  	s29 =	smov.u32 s19;
	s19 =	sshll.u32 s24, $0x3;
	_ =	swait.ge [sflag:s13], $0x2000  }
0xa3: {  	s0 =	sshll.u32 s0, $0x3;
	s19 =	sand.u32 $0x1FFFE800, s19;
	[sflag:s13] =	ssyncset.done $0x0  }
0xa4: {  	s19 =	sadd.s32 s2, s19;
	s24 =	rddreg [dreg:$0x6];
	[sflag:s13] =	ssyncadd.s32 $0xFFFFE000  }
0xa5: {  	[hbm4b:s19+s3] =	stream.linear.scatter [tilespmem:s24], [sflag:$0xB], $0x2000, $0x38;
	[tilespmem:$0x16400] =	vst v63  }
0xa6: {  	s7 =	sadd.s32 s2, s7;
	s0 =	sand.u32 $0x1FFFF400, s0;
	_ =	swait.ge [sflag:s14], $0x2000  }
0xa7: {  	s6 =	sand.u32 $0x1FFFF000, s6;
	s25 =	sadd.s32 s4, s22;
	[sflag:s14] =	ssyncset.done $0x0  }
0xa8: {  	s20 =	sshll.u32 s25, $0x3;
	s25 =	rddreg [dreg:$0x7];
	[sflag:s14] =	ssyncadd.s32 $0xFFFFE000  }
0xa9: {  	[hbm4b:s7+s3] =	stream.linear.scatter [tilespmem:s25], [sflag:$0xC], $0x2000, $0x38;
	[tilespmem:$0x16400] =	vst v63  }
.Ltmp0:
0xaa: {  	s6 =	sadd.s32 s2, s6;
	s21 =	sand.u32 $0x1FFFF800, s21;
	(pc) =	sbr.rel @p1 .LBB2_2-.Ltmp0, $4  }
0xab: {  	s21 =	sadd.s32 s2, s21;
	s31 =	sadd.s32 $0x400, s31;
	_ =	swait.ge [sflag:s15], $0x2000  }
0xac: {  	p0 =	sne.s32 s29, $0x380;
	s22 =	sand.u32 $0x1FFFFC00, s20;
	[sflag:s15] =	ssyncset.done $0x0  }
0xad: {  	s30 =	sadd.s32 $0x2000, s30;
	s26 =	rddreg [dreg:$0x8];
	[sflag:s15] =	ssyncadd.s32 $0xFFFFE000  }
0xae: {  	[hbm4b:s6+s3] =	stream.linear.scatter [tilespmem:s26], [sflag:$0xD], $0x2000, $0x38;
	[tilespmem:$0x16400] =	vst v63  }
0xaf: {  	_ =	swait.ge [sflag:s16], $0x2000  }
0xb0: {  	[sflag:s16] =	ssyncset.done $0x0  }
0xb1: {  	s0 =	sadd.s32 s2, s0;
	s1 =	rddreg [dreg:$0x9];
	[sflag:s16] =	ssyncadd.s32 $0xFFFFE000  }
0xb2: {  	[hbm4b:s0+s3] =	stream.linear.scatter [tilespmem:s1], [sflag:$0xE], $0x2000, $0x38;
	[tilespmem:$0x16400] =	vst v63  }
0xb3: {  	_ =	swait.ge [sflag:s17], $0x2000  }
0xb4: {  	[sflag:s17] =	ssyncset.done $0x0  }
0xb5: {  	s20 =	rddreg [dreg:$0xa];
	[sflag:s17] =	ssyncadd.s32 $0xFFFFE000  }
0xb6: {  	[hbm4b:s21+s3] =	stream.linear.scatter [tilespmem:s20], [sflag:$0xF], $0x2000, $0x38;
	[tilespmem:$0x16400] =	vst v63  }
0xb7: {  	_ =	swait.ge [sflag:s18], $0x2000  }
0xb8: {  	[sflag:s18] =	ssyncset.done $0x0  }
0xb9: {  	s0 =	simm.s32 @p0 $0x9;
	s21 =	sadd.s32 s2, s22;
	[sflag:s18] =	ssyncadd.s32 $0xFFFFE000  }
0xba: {  	[hbm4b:s21+s3] =	stream.linear.scatter [tilespmem:s10], [sflag:$0x10], $0x2000, $0x38;
	[tilespmem:$0x16400] =	vst v63  }
0xbb: {  	_ =	swait.ge @p0 [sflag:s0], $0x2000  }
0xbc: {  	s6 =	simm.s32 @p0 $0x80;
	[sflag:s0] =	ssyncset.done @p0 $0x0  }
0xbd: {  	s7 =	simm.s32 @p0 $0x6400;
	s1 =	simm.s32 @p0 $0xA;
	[sflag:s0] =	ssyncadd.s32 @p0 $0xFFFFE000  }
0xbe: {  	[tilespmem:s7], [sflag:$0x1] =	stream.indirect.gather @p0 [hbm4b:s5+s6], $0x40, s31, s6, $0xb8;
	[tilespmem:$0x16400] =	vst v63  }
0xbf: {  	_ =	swait.ge @p0 [sflag:s1], $0x2000  }
0xc0: {  	s0 =	sadd.s32 @p0 $0x80, s31;
	[sflag:s1] =	ssyncset.done @p0 $0x0  }
0xc1: {  	s7 =	simm.s32 @p0 $0x8400;
	[sflag:s1] =	ssyncadd.s32 @p0 $0xFFFFE000;
	s1 =	simm.s32 @p0 $0xB  }
0xc2: {  	[tilespmem:s7], [sflag:$0x2] =	stream.indirect.gather @p0 [hbm4b:s5+s6], $0x40, s0, s6, $0xb8;
	[tilespmem:$0x16400] =	vst v63  }
0xc3: {  	_ =	swait.ge @p0 [sflag:s1], $0x2000  }
0xc4: {  	s0 =	sadd.s32 @p0 $0x100, s31;
	[sflag:s1] =	ssyncset.done @p0 $0x0  }
0xc5: {  	s7 =	simm.s32 @p0 $0xA400;
	[sflag:s1] =	ssyncadd.s32 @p0 $0xFFFFE000;
	s1 =	simm.s32 @p0 $0xC  }
0xc6: {  	[tilespmem:s7], [sflag:$0x3] =	stream.indirect.gather @p0 [hbm4b:s5+s6], $0x40, s0, s6, $0xb8;
	[tilespmem:$0x16400] =	vst v63  }
0xc7: {  	_ =	swait.ge @p0 [sflag:s1], $0x2000  }
0xc8: {  	s0 =	sadd.s32 @p0 $0x180, s31;
	[sflag:s1] =	ssyncset.done @p0 $0x0  }
0xc9: {  	s7 =	simm.s32 @p0 $0xC400;
	[sflag:s1] =	ssyncadd.s32 @p0 $0xFFFFE000;
	s1 =	simm.s32 @p0 $0xD  }
0xca: {  	[tilespmem:s7], [sflag:$0x4] =	stream.indirect.gather @p0 [hbm4b:s5+s6], $0x40, s0, s6, $0xb8;
	[tilespmem:$0x16400] =	vst v63  }
0xcb: {  	_ =	swait.ge @p0 [sflag:s1], $0x2000  }
0xcc: {  	s0 =	sadd.s32 @p0 $0x200, s31;
	[sflag:s1] =	ssyncset.done @p0 $0x0  }
0xcd: {  	s7 =	simm.s32 @p0 $0xE400;
	[sflag:s1] =	ssyncadd.s32 @p0 $0xFFFFE000;
	s1 =	simm.s32 @p0 $0xE  }
0xce: {  	[tilespmem:s7], [sflag:$0x5] =	stream.indirect.gather @p0 [hbm4b:s5+s6], $0x40, s0, s6, $0xb8;
	[tilespmem:$0x16400] =	vst v63  }
0xcf: {  	_ =	swait.ge @p0 [sflag:s1], $0x2000  }
0xd0: {  	s0 =	sadd.s32 @p0 $0x280, s31;
	[sflag:s1] =	ssyncset.done @p0 $0x0  }
0xd1: {  	s7 =	simm.s32 @p0 $0x10400;
	[sflag:s1] =	ssyncadd.s32 @p0 $0xFFFFE000;
	s1 =	simm.s32 @p0 $0xF  }
0xd2: {  	[tilespmem:s7], [sflag:$0x6] =	stream.indirect.gather @p0 [hbm4b:s5+s6], $0x40, s0, s6, $0xb8;
	[tilespmem:$0x16400] =	vst v63  }
0xd3: {  	_ =	swait.ge @p0 [sflag:s1], $0x2000  }
0xd4: {  	s0 =	sadd.s32 @p0 $0x300, s31;
	[sflag:s1] =	ssyncset.done @p0 $0x0  }
0xd5: {  	s7 =	simm.s32 @p0 $0x12400;
	[sflag:s1] =	ssyncadd.s32 @p0 $0xFFFFE000;
	s1 =	simm.s32 @p0 $0x10  }
0xd6: {  	[tilespmem:s7], [sflag:$0x7] =	stream.indirect.gather @p0 [hbm4b:s5+s6], $0x40, s0, s6, $0xb8;
	[tilespmem:$0x16400] =	vst v63  }
0xd7: {  	_ =	swait.ge @p0 [sflag:s1], $0x2000  }
0xd8: {  	[sflag:s1] =	ssyncset.done @p0 $0x0  }
0xd9: {  	s0 =	simm.s32 @!p0 $0x80;
	s6 =	simm.s32 @!p0 $0x6400;
	[sflag:s1] =	ssyncadd.s32 @p0 $0xFFFFE000  }
0xda: {  	[tilespmem:s6], [sflag:$0x1] =	stream.indirect.gather @!p0 [hbm4b:s5+s0], $0x40, s31, s0, $0xb8;
	[tilespmem:$0x16400] =	vst v63  }
0xdb: {  	s1 =	simm.s32 @!p0 $0x8400  }
0xdc: {  	[tilespmem:s1], [sflag:$0x2] =	stream.indirect.gather @!p0 [hbm4b:s5+s0], $0x40, s0, s0, $0xb8;
	[tilespmem:$0x16400] =	vst v63  }
0xdd: {  	s6 =	simm.s32 @!p0 $0xA400;
	s1 =	simm.s32 @!p0 $0x100  }
0xde: {  	[tilespmem:s6], [sflag:$0x3] =	stream.indirect.gather @!p0 [hbm4b:s5+s0], $0x40, s1, s0, $0xb8;
	[tilespmem:$0x16400] =	vst v63  }
0xdf: {  	s7 =	simm.s32 @!p0 $0xC400;
	s6 =	simm.s32 @!p0 $0x180  }
0xe0: {  	[tilespmem:s7], [sflag:$0x4] =	stream.indirect.gather @!p0 [hbm4b:s5+s0], $0x40, s6, s0, $0xb8;
	[tilespmem:$0x16400] =	vst v63  }
0xe1: {  	s9 =	simm.s32 @!p0 $0xE400;
	s7 =	simm.s32 @!p0 $0x200  }
0xe2: {  	[tilespmem:s9], [sflag:$0x5] =	stream.indirect.gather @!p0 [hbm4b:s5+s0], $0x40, s7, s0, $0xb8;
	[tilespmem:$0x16400] =	vst v63  }
0xe3: {  	s19 =	simm.s32 @!p0 $0x10400;
	s20 =	rddreg [dreg:$0x3];
	s9 =	simm.s32 @!p0 $0x280  }
0xe4: {  	[tilespmem:s19], [sflag:$0x6] =	stream.indirect.gather @!p0 [hbm4b:s5+s0], $0x40, s9, s0, $0xb8;
	[tilespmem:$0x16400] =	vst v63  }
0xe5: {  	s1 =	sadd.s32 @p0 $0xFFFFFD00, s29;
	s9 =	simm.s32 @!p0 $0x300;
	s19 =	simm.s32 @!p0 $0x12400  }
0xe6: {  	[tilespmem:s19], [sflag:$0x7] =	stream.indirect.gather @!p0 [hbm4b:s5+s0], $0x40, s9, s0, $0xb8;
	[tilespmem:$0x16400] =	vst v63  }
0xe7: {  	s6 =	sadd.s32 @p0 $0xFFFFFD80, s29;
	s7 =	sadd.s32 @p0 $0xFFFFFE00, s29;
	s0 =	sadd.s32 @p0 $0xFFFFFE80, s29  }
0xe8: {  	s9 =	sadd.s32 @p0 $0xFFFFFF00, s29;
	s19 =	sadd.s32 @p0 $0xFFFFFF80, s29;
	s29 =	simm.s32 @!p0 $0x380  }
0xe9: {  	[tilespmem:s10], [sflag:$0x8] =	stream.indirect.gather [hbm4b:s5+s20], $0x40, s29, s20, $0xb8;
	[tilespmem:$0x16400] =	vst v63  }
0xea: {  	_ =	swait.ge [sflag:s11], $0x2000  }
0xeb: {  	s1 =	simm.s32 @!p0 $0x80;
	[sflag:s11] =	ssyncset.done $0x0  }
0xec: {  	s1 =	sadd.s32 s4, s1;
	s22 =	rddreg [dreg:$0x4];
	[sflag:s11] =	ssyncadd.s32 $0xFFFFE000  }
0xed: {  	[hbm4b:s30+s3] =	stream.linear.scatter [tilespmem:s22], [sflag:$0x9], $0x2000, $0x38;
	[tilespmem:$0x16400] =	vst v63  }
0xee: {  	s1 =	sshll.u32 s1, $0x3;
	s6 =	simm.s32 @!p0 $0x100;
	_ =	swait.ge [sflag:s12], $0x2000  }
0xef: {  	s1 =	sand.u32 $0x1FFFE400, s1;
	s24 =	sadd.s32 s4, s6;
	[sflag:s12] =	ssyncset.done $0x0  }
0xf0: {  	s1 =	sadd.s32 s2, s1;
	s23 =	rddreg [dreg:$0x5];
	[sflag:s12] =	ssyncadd.s32 $0xFFFFE000  }
0xf1: {  	[hbm4b:s1+s3] =	stream.linear.scatter [tilespmem:s23], [sflag:$0xA], $0x2000, $0x38;
	[tilespmem:$0x16400] =	vst v63  }
0xf2: {  	s7 =	simm.s32 @!p0 $0x180;
	s1 =	sshll.u32 s24, $0x3;
	_ =	swait.ge [sflag:s13], $0x2000  }
0xf3: {  	s26 =	sadd.s32 s4, s7;
	s1 =	sand.u32 $0x1FFFE800, s1;
	[sflag:s13] =	ssyncset.done $0x0  }
0xf4: {  	s25 =	rddreg [dreg:$0x6];
	s1 =	sadd.s32 s2, s1;
	[sflag:s13] =	ssyncadd.s32 $0xFFFFE000  }
0xf5: {  	[hbm4b:s1+s3] =	stream.linear.scatter [tilespmem:s25], [sflag:$0xB], $0x2000, $0x38;
	[tilespmem:$0x16400] =	vst v63  }
0xf6: {  	s0 =	simm.s32 @!p0 $0x200;
	s1 =	sshll.u32 s26, $0x3;
	_ =	swait.ge [sflag:s14], $0x2000  }
0xf7: {  	s0 =	sadd.s32 s4, s0;
	s1 =	sand.u32 $0x1FFFEC00, s1;
	[sflag:s14] =	ssyncset.done $0x0  }
0xf8: {  	s30 =	rddreg [dreg:$0x7];
	s1 =	sadd.s32 s2, s1;
	[sflag:s14] =	ssyncadd.s32 $0xFFFFE000  }
0xf9: {  	[hbm4b:s1+s3] =	stream.linear.scatter [tilespmem:s30], [sflag:$0xC], $0x2000, $0x38;
	[tilespmem:$0x16400] =	vst v63  }
0xfa: {  	s9 =	simm.s32 @!p0 $0x280;
	s0 =	sshll.u32 s0, $0x3;
	_ =	swait.ge [sflag:s15], $0x2000  }
0xfb: {  	s6 =	sadd.s32 s4, s9;
	s0 =	sand.u32 $0x1FFFF000, s0;
	[sflag:s15] =	ssyncset.done $0x0  }
0xfc: {  	s0 =	sadd.s32 s2, s0;
	s31 =	rddreg [dreg:$0x8];
	[sflag:s15] =	ssyncadd.s32 $0xFFFFE000  }
0xfd: {  	[hbm4b:s0+s3] =	stream.linear.scatter [tilespmem:s31], [sflag:$0xD], $0x2000, $0x38;
	[tilespmem:$0x16400] =	vst v63  }
0xfe: {  	s19 =	simm.s32 @!p0 $0x300;
	s0 =	sshll.u32 s6, $0x3;
	_ =	swait.ge [sflag:s16], $0x2000  }
0xff: {  	s9 =	sadd.s32 s4, s19;
	s0 =	sand.u32 $0x1FFFF400, s0;
	[sflag:s16] =	ssyncset.done $0x0  }
0x100: {  	s7 =	rddreg [dreg:$0x9];
	s0 =	sadd.s32 s2, s0;
	[sflag:s16] =	ssyncadd.s32 $0xFFFFE000  }
0x101: {  	[hbm4b:s0+s3] =	stream.linear.scatter [tilespmem:s7], [sflag:$0xE], $0x2000, $0x38;
	[tilespmem:$0x16400] =	vst v63  }
0x102: {  	s0 =	sshll.u32 s9, $0x3;
	_ =	swait.ge [sflag:s17], $0x2000  }
0x103: {  	s20 =	sadd.s32 s4, s29;
	s0 =	sand.u32 $0x1FFFF800, s0;
	[sflag:s17] =	ssyncset.done $0x0  }
0x104: {  	s19 =	rddreg [dreg:$0xa];
	s0 =	sadd.s32 s2, s0;
	[sflag:s17] =	ssyncadd.s32 $0xFFFFE000  }
0x105: {  	[hbm4b:s0+s3] =	stream.linear.scatter [tilespmem:s19], [sflag:$0xF], $0x2000, $0x38;
	[tilespmem:$0x16400] =	vst v63  }
0x106: {  	s0 =	sshll.u32 s20, $0x3;
	_ =	swait.ge [sflag:s18], $0x2000  }
0x107: {  	s0 =	sand.u32 $0x1FFFFC00, s0;
	[sflag:s18] =	ssyncset.done $0x0  }
0x108: {  	s21 =	simm.s32 $0x9;
	s0 =	sadd.s32 s2, s0;
	[sflag:s18] =	ssyncadd.s32 $0xFFFFE000  }
0x109: {  	[hbm4b:s0+s3] =	stream.linear.scatter [tilespmem:s10], [sflag:$0x10], $0x2000, $0x38;
	[tilespmem:$0x16400] =	vst v63  }
0x10a: {  	_ =	swait.ge [sflag:s21], $0x2000  }
0x10b: {  	[sflag:s21] =	ssyncset.done $0x0  }
0x10c: {  	s22 =	simm.s32 $0xA;
	[sflag:s21] =	ssyncadd.s32 $0xFFFFE000  }
0x10d: {  	_ =	swait.ge [sflag:s22], $0x2000  }
0x10e: {  	[sflag:s22] =	ssyncset.done $0x0  }
0x10f: {  	s23 =	simm.s32 $0xB;
	[sflag:s22] =	ssyncadd.s32 $0xFFFFE000  }
0x110: {  	_ =	swait.ge [sflag:s23], $0x2000  }
0x111: {  	[sflag:s23] =	ssyncset.done $0x0  }
0x112: {  	s24 =	simm.s32 $0xC;
	[sflag:s23] =	ssyncadd.s32 $0xFFFFE000  }
0x113: {  	_ =	swait.ge [sflag:s24], $0x2000  }
0x114: {  	[sflag:s24] =	ssyncset.done $0x0  }
0x115: {  	s25 =	simm.s32 $0xD;
	[sflag:s24] =	ssyncadd.s32 $0xFFFFE000  }
0x116: {  	_ =	swait.ge [sflag:s25], $0x2000  }
0x117: {  	[sflag:s25] =	ssyncset.done $0x0  }
0x118: {  	s26 =	simm.s32 $0xE;
	[sflag:s25] =	ssyncadd.s32 $0xFFFFE000  }
0x119: {  	_ =	swait.ge [sflag:s26], $0x2000  }
0x11a: {  	[sflag:s26] =	ssyncset.done $0x0  }
0x11b: {  	s29 =	simm.s32 $0xF;
	[sflag:s26] =	ssyncadd.s32 $0xFFFFE000  }
0x11c: {  	_ =	swait.ge [sflag:s29], $0x2000  }
0x11d: {  	[sflag:s29] =	ssyncset.done $0x0  }
0x11e: {  	s30 =	simm.s32 $0x10;
	[sflag:s29] =	ssyncadd.s32 $0xFFFFE000  }
0x11f: {  	_ =	swait.ge [sflag:s30], $0x2000  }
0x120: {  	s28 =	sadd.s32 $0x1, s28;
	s31 =	rddreg [dreg:$0xc]  }
0x121: {  	p0 =	sne.s32 s28, s31  }
.Ltmp1:
0x122: {  	_ = 	snop;
	(pc) =	sbr.rel @p0 .LBB2_1-.Ltmp1, $3  }
0x123: {  	_ =	sdelay $0x1  }
0x124: {  	[sflag:s30] =	ssyncset.done $0x0  }
0x125: {  	[sflag:s30] =	ssyncadd.s32 $0xFFFFE000  }
0x126: {  	_ =	sfence.sel $0x180000  }
0x127: {  	[bflag:$0x0] =	sbarrier.arrive $0xFFFF  }
0x128: {  	_ =	strace $0x90000047  }
0x129: {  	s0 =	stileid.u32;
	[bflag:$0x2] =	sbarrier.arrive $0xFFFF  }
0x12a: {  	p0 =	sne.s32 s0, $0x0;
	s0 =	rddreg [dreg:$0x2]  }
0x12b: {  	s0 =	sadd.s32 @!p0 $0x100000, s0  }
0x12c: {  	[sflag:s0] =	ssyncadd.tile.s32 @!p0 $0x1;
	_ =	shalt  }
.Lfunc_end2:
_tile_overlayer_lowered:
.L_overlay_start_2:
0x12d: {  	(tag) =	ssettag $0x2  }
0x12e: {  	s0 =	rddreg [dreg:$0x0];
	s2 =	stileid.u32  }
0x12f: {  	s1 =	rddreg [dreg:$0x1];
	p0 =	sne.s32 s2, $0x0  }
0x130: {  	s3 =	rddreg [dreg:$0x2];
	[bflag:$0x3] =	sbarrier.arrive $0xFFFF;
	s2 =	simm.s32 @!p0 $0x1C11  }
0x131: {  	[timem:s3], [sflag:s2] =	dma.local @!p0 [hbm:s0], s1  }
0x132: {  	s0 =	simm.s32 @!p0 $0x11  }
0x133: {  	_ =	swait.ge @!p0 [sflag:s0], s1  }
0x134: {  	s1 =	ssub.s32 @!p0 $0x0, s1;
	[sflag:s0] =	ssyncset.done @!p0 $0x0  }
0x135: {  	[sflag:s0] =	ssyncadd.s32 @!p0 s1  }
0x136: {  	[bflag:$0x3] =	sbarrier.arrive $0xFFFF  }
0x137: {  	_ =	shalt  }

// kernel: sparse-core-data-format-call.cloned.1.call-start
scs
called_computation_lowered:
.L_overlay_start_0:
0x0: {  	s2 =	sld [smem:$0x3FD9]  }
0x1: {  	s3 =	sld [smem:$0x3FFE];
	_ =	sdelay $0x1  }
0x2: {  	s1 =	srdreg.scid  }
0x3: {  	s0 =	sand.u32 $0x1, s1  }
0x4: {  	s18 =	sshll.u32 s0, $0xA;
	s2 =	sadd.s32 s3, s2  }
0x5: {  	s2 =	sadd.s32 s2, s18  }
0x6: {  	[smem:$0x3FC6] =	sst s2  }
0x7: {  	_ = 	snop  }
0x8: {  	s2 =	sld [smem:$0x3FD0];
	(tm) =	ssettm $0x1  }
0x9: {  	s19 =	sld [smem:$0x3FFB];
	_ =	sdelay $0x3  }
0xa: {  	_ =	strace s19  }
0xb: {  	s3 =	sld [smem:$0x3FFC];
	_ =	sdelay $0x3  }
0xc: {  	_ =	strace s3  }
0xd: {  	s3 =	sld [smem:$0x3FFD];
	_ =	sdelay $0x3  }
0xe: {  	_ =	strace s3  }
0xf: {  	_ =	strace $0x8FFFFFFF  }
0x10: {  	s20 =	sld [smem:$0x3FDB];
	_ =	sdelay $0x1  }
0x11: {  	s4 =	simm.s32 $_scs_section_size  }
0x12: {  	s5 =	simm.s32 $_size__tile_overlayer_lowered;
	s6 =	simm.s32 $_tile_overlayer_lowered  }
0x13: {  	s23 =	simm.s32 $0x1BFF;
	s22 =	sshll.u32 s6, $0x1;
	s3 =	sadd.s32 s4, s20  }
0x14: {  	s7 =	simm.s32 $0x0;
	s21 =	sshll.u32 s5, $0x1;
	s5 =	sadd.s32 s22, s3  }
0x15: {  	[timem:s7], [sflag:s23] =	dma.local [hbm:s5], s21  }
0x16: {  	_ =	swait.ge [sflag:s23], s21  }
0x17: {  	s4 =	ssub.s32 $0x0, s21;
	[sflag:s23] =	ssyncset.done $0x0  }
0x18: {  	[sflag:s23] =	ssyncadd.s32 s4;
	_ =	sdelay $0x1  }
0x19: {  	s24 =	simm.s32 $0x1B8B  }
0x1a: {  	_ =	swait.ge [sflag:s24], $0x1  }
0x1b: {  	[sflag:s24] =	ssyncset.done $0x0  }
0x1c: {  	s26 =	simm.s32 $0x1B8E;
	s25 =	sld [smem:$0x3FFE];
	[sflag:s24] =	ssyncadd.s32 $0xFFFFFFFF  }
0x1d: {  	s27 =	simm.s32 $execute0_lowered;
	[smem:$0x3FD2] =	sst s26  }
0x1e: {  	s5 =	sshll.u32 s27, $0x1;
	_ =	strace $0x80000049;
	[dreg:$0x1] =	wrdreg $0xFFFFFFFF  }
0x1f: {  	s28 =	simm.s32 $_size_execute0_lowered;
	s3 =	sadd.s32 s3, s5;
	[dreg:$0x0] =	wrdreg $0x0  }
0x20: {  	s5 =	sshll.u32 s28, $0x1;
	[dreg:$0x2] =	wrdreg s3  }
0x21: {  	[dreg:$0x3] =	wrdreg s5  }
0x22: {  	[dreg:$0x4] =	wrdreg $0xC0  }
0x23: {  	_ =	task [dreg:s7], $0x5FFFF  }
0x24: {  	[dreg:$0x1] =	wrdreg $0xFFFFFFFF  }
0x25: {  	[dreg:$0x0] =	wrdreg $0x60  }
0x26: {  	[dreg:$0x2] =	wrdreg s25  }
0x27: {  	[dreg:$0x3] =	wrdreg s2  }
0x28: {  	[dreg:$0x4] =	wrdreg $0x9  }
0x29: {  	_ =	task.clear_ibuf [dreg:s7], $0x5FFFF;
	_ =	strace $0x90000049  }
0x2a: {  	s29 =	simm.s32 $0x9;
	_ =	strace $0x8000004B  }
0x2b: {  	_ =	swait.ge [sflag:s29], $0x1  }
0x2c: {  	[sflag:s29] =	ssyncadd.s32 $0xFFFFFFFF  }
0x2d: {  	_ =	strace $0x9000004B  }
0x2e: {  	_ =	sfence  }
0x2f: {  	s30 =	sld [smem:$0x0];
	_ =	sdelay $0x2  }
0x30: {  	s31 =	sshll.u32 s1, $0xD;
	s1 =	sshrl.u32 s1, $0x2  }
0x31: {  	s3 =	sand.u32 $0x4000, s31;
	s1 =	sadd.s32 s1, s30  }
0x32: {  	s0 =	sor.u32 s3, s0;
	s1 =	sshll.u32 s1, $0x11  }
0x33: {  	s0 =	sor.u32 s1, s0  }
0x34: {  	s0 =	sadd.s32 $0x8F2B, s0  }
0x35: {  	[sflag:s0] =	ssyncadd.remote.s32 $0x1  }
0x36: {  	_ =	sfence.sel $0xFFFF  }
0x37: {  	[dreg:$0x0] =	wrdreg $0xFFFFFFFF;
	(pc) =	sbr.abs _section_cstart, $3  }
0x38: {  	[dreg:$0x1] =	wrdreg $0xFFFFFFFF  }
0x39: {  	_ =	task.clear_ibuf [dreg:s7], $0x2FFFF;
	_ =	strace $0x9FFFFFFF  }
0x3a: {  	(tm) =	ssettm $0x7FFFFFFF  }
0x3b: {  	_ =	shalt  }
tec
execute0_lowered:
.L_overlay_start_1:
0x0: {  	(tag) =	ssettag $0x1  }
0x1: {  	s0 =	srdreg.scid  }
0x2: {  	s1 =	sshll.u32 s0, $0x4  }
0x3: {  	s0 =	stileid.u32;
	s1 =	sand.u32 $0x10, s1  }
0x4: {  	s1 =	sor.u32 s0, s1  }
0x5: {  	s6 =	rddreg [dreg:$0x0];
	s4 =	simm.s32 $0x1;
	s2 =	sshll.u32 s1, $0x7  }
0x6: {  	s7 =	simm.s32 $0x2;
	s12 =	simm.s32 $0x0;
	s1 =	ssub.s32 $0x1000, s2  }
0x7: {  	s8 =	simm.s32 $0x8000;
	s13 =	simm.s32 $0x0;
	s3 =	sand.u32 $0xF80, s1  }
0x8: {  	s9 =	simm.s32 $0x0;
	s5 =	sshrl.u32 s1, $0xC;
	p0 =	sne.s32 s3, $0x0  }
.Ltmp0:
0x9: {  	s1 =	rddreg [dreg:$0x2];
	s4 =	simm.s32 @!p0 $0x0;
	(pc) =	sbr.rel .LBB1_1-.Ltmp0, $4  }
0xa: {  	s11 =	simm.s32 $0x0;
	s3 =	rddreg [dreg:$0x1];
	s5 =	sadd.s32 s4, s5  }
0xb: {  	_ =	strace $0x8000004A;
	s4 =	simm.s32 $0x1;
	s5 =	smul.u32 $0xC8, s5  }
0xc: {  	s6 =	sadd.s32 $0x800, s6;
	s10 =	smov.u32 s2;
	[sflag:s4] =	ssyncpa.u1 $0x0  }
0xd: {  	p0 =	por $0x0, $0x0;
	[sflag:s7] =	ssyncpa.u1 $0x0;
	s7 =	sor.u32 $0x1, s5  }
.LBB1_4:
0xe: {  	s16 =	sshll.u32 s13, $0x3;
	s17 =	sand.u32 $0x78, s13  }
0xf: {  	s30 =	sand.u32 $0x7E00, s13;
	s12 =	sshll.u32 s12, $0xF;
	s16 =	sand.u32 $0xC00, s16  }
0x10: {  	[tilespmem:s15+$0x810 ss:$0x81] =	vst.msk $0xffff, v2;
	s31 =	sand.u32 $0x7, s13;
	s16 =	sor.u32 s17, s16;
	s17 =	sadd.s32 s3, s30  }
0x11: {  	[tilespmem:s15+$0x1020 ss:$0x81] =	vst.msk $0xffff, v0;
	s13 =	sshll.u32 s31, $0x12;
	s12 =	sadd.s32 s12, s17;
	s16 =	sshrl.u32 s16, $0x3  }
0x12: {  	[tilespmem:s15+$0x0 ss:$0x81] =	vst.msk $0xffff, v1;
	s13 =	sor.u32 $0x400, s13;
	s12 =	sadd.s32 s16, s12  }
0x13: {  	[hbm4b:s12+s13] =	stream.strided.scatter [tilespmem:s14], [sflag:$0x2], $0x2000, s8, s13, $0x20;
	[tilespmem:$0x8080] =	vst v63  }
.LBB1_5:
0x14: {  	s14 =	sadd.s32 $0x1, s9  }
0x15: {  	s12 =	sadd.s32 $0x1000, s10;
	s16 =	smov.u32 s10;
	p2 =	sgt.s32 s14, $0xC7  }
0x16: {  	s16 =	smov.u32 @p2 s12  }
0x17: {  	s14 =	simm.s32 @p2 $0x0;
	p2 =	sgt.s32 s16, $0xFFF  }
0x18: {  	s16 =	smov.u32 @p2 s2;
	p2 =	sne.s32 s11, s7  }
.Ltmp1:
0x19: {  	p1 =	slt.u32 s11, $0x2;
	(pc) =	sbr.rel @!p2 .LBB1_6-.Ltmp1, $4  }
0x1a: {  	s15 =	simm.s32 @!p1 $0x2  }
0x1b: {  	s13 =	smov.u32 s10;
	p0 =	por !p0, !p0;
	_ =	swait.ge @!p1 [sflag:s15], $0x2000  }
0x1c: {  	s12 =	smov.u32 s9;
	[sflag:s15] =	ssyncset.done @!p1 $0x0;
	s9 =	smov.u32 s14  }
0x1d: {  	s11 =	sadd.s32 $0x1, s11;
	[sflag:s15] =	ssyncadd.s32 @!p1 $0xFFFFE000;
	s10 =	smov.u32 s16  }
.LBB1_1:
0x1e: {  	p1 =	sge.u32 s11, s5  }
0x1f: {  	s14 =	sand.u32 @!p1 $0x1FFFFFF, s9  }
0x20: {  	s15 =	smulhi.u32 @!p1 $0x147AE15, s14;
	_ =	sdelay $0x1  }
0x21: {  	s15 =	smul.u32 @!p1 $0xC8, s15  }
0x22: {  	s16 =	sxor.u32 @!p1 $0xFFFFFFFF, s11;
	s17 =	smul.u32 @!p1 $0xC80, s10  }
0x23: {  	s31 =	sadd.s32 $0xFFFFFFFF, s11;
	s16 =	sshll.u32 @!p1 s16, $0xD;
	s14 =	ssub.s32 @!p1 s14, s15  }
0x24: {  	s15 =	sand.u32 @!p1 $0x2000, s16;
	s16 =	sadd.s32 @!p1 s6, s17;
	s14 =	sshll.u32 @!p1 s14, $0x4  }
0x25: {  	s17 =	simm.s32 @!p1 $0x6400;
	s14 =	sadd.s32 @!p1 s14, s16;
	s16 =	simm.s32 @!p1 $0x40  }
0x26: {  	[tilespmem:s15], [sflag:$0x1] =	stream.strided.gather @!p1 [hbm4b:s14+s16], $0x2000, s17, s16, $0x38;
	[tilespmem:$0x8080] =	vst v63  }
0x27: {  	p1 =	sge.u32 s31, s5  }
.Ltmp2:
0x28: {  	_ = 	snop;
	(pc) =	sbr.rel @p1 .LBB1_5-.Ltmp2, $1  }
0x29: {  	_ =	sdelay $0x3  }
0x2a: {  	s14 =	simm.s32 $0x1  }
0x2b: {  	_ =	swait.ge [sflag:s4], $0x2000;
	s14 =	simm.s32 @!p0 $0x0  }
0x2c: {  	[sflag:s4] =	ssyncset.done $0x0;
	s15 =	sshll.u32 s14, $0xD  }
0x2d: {  	[sflag:s4] =	ssyncadd.s32 $0xFFFFE000;
	s18 =	sor.u32 $0x20, s15  }
0x2e: {  	s14 =	smul.u32 $0x8100, s14;
	v3 =	vld [tilespmem:s18+$0x10]  }
0x2f: {  	s30 =	sand.u32 $0x1, s11;
	v2 =	vld [tilespmem:s18+$0xFFFFFFF0]  }
0x30: {  	s15 =	smul.u32 $0x8100, s30;
	s14 =	sshrl.u32 s14, $0x2;
	v0 =	vld [tilespmem:s18+$0x0]  }
0x31: {  	v1 =	vld [tilespmem:s18+$0xFFFFFFE0];
	s16 =	sor.u32 $0x4000, s14  }
0x32: {  	s31 =	sshrl.u32 s15, $0x2;
	s15 =	sadd.s32 $0x0, s16  }
0x33: {  	s17 =	simm.s32 $0x4;
	s18 =	sadd.s32 $0x40, s18;
	s14 =	sor.u32 $0x4000, s31;
	[tilespmem:s15+$0x1830 ss:$0x81] =	vst.msk $0xffff, v3  }
.LBB1_3:
0x34: {  	v3 =	vld [tilespmem:s18+$0x10];
	p1 =	sne.s32 s17, $0x1FC;
	[tilespmem:s15+$0x810 ss:$0x81] =	vst.msk $0xffff, v2;
	s19 =	smov.u32 s17;
	s17 =	sadd.s32 $0x4, s17  }
.Ltmp3:
0x35: {  	v2 =	vld [tilespmem:s18+$0xFFFFFFF0];
	[tilespmem:s15+$0x1020 ss:$0x81] =	vst.msk $0xffff, v0;
	(pc) =	sbr.rel @p1 .LBB1_3-.Ltmp3, $4  }
0x36: {  	v0 =	vld [tilespmem:s18+$0x0];
	[tilespmem:s15+$0x0 ss:$0x81] =	vst.msk $0xffff, v1  }
0x37: {  	s15 =	sshra.s32 s19, $0x2;
	v1 =	vld [tilespmem:s18+$0xFFFFFFE0]  }
0x38: {  	s15 =	sadd.s32 s15, s16  }
0x39: {  	s18 =	sadd.s32 $0x40, s18;
	[tilespmem:s15+$0x1830 ss:$0x81] =	vst.msk $0xffff, v3  }
.Ltmp4:
0x3a: {  	_ = 	snop;
	(pc) =	sbr.rel .LBB1_4-.Ltmp4, $1  }
0x3b: {  	_ =	sdelay $0x3  }
.LBB1_6:
0x3c: {  	_ =	sfence.sel $0x180000  }
0x3d: {  	s2 =	simm.s32 $0x1;
	[bflag:$0x0] =	sbarrier.arrive $0xFFFF  }
0x3e: {  	s31 =	simm.s32 $0x2;
	[sflag:s2] =	ssyncpa.u1 $0x1  }
0x3f: {  	[sflag:s31] =	ssyncpa.u1 $0x1  }
0x40: {  	p0 =	sne.s32 s0, $0x0;
	_ =	strace $0x9000004A  }
0x41: {  	s0 =	sadd.s32 @!p0 $0x100000, s1;
	[bflag:$0x2] =	sbarrier.arrive $0xFFFF  }
0x42: {  	[sflag:s0] =	ssyncadd.tile.s32 @!p0 $0x1;
	_ =	shalt  }
.Lfunc_end1:
_tile_overlayer_lowered:
.L_overlay_start_2:
0x43: {  	(tag) =	ssettag $0x2  }
0x44: {  	s0 =	rddreg [dreg:$0x0];
	s2 =	stileid.u32  }
0x45: {  	s1 =	rddreg [dreg:$0x1];
	p0 =	sne.s32 s2, $0x0  }
0x46: {  	s3 =	rddreg [dreg:$0x2];
	[bflag:$0x3] =	sbarrier.arrive $0xFFFF;
	s2 =	simm.s32 @!p0 $0x1C01  }
0x47: {  	[timem:s3], [sflag:s2] =	dma.local @!p0 [hbm:s0], s1  }
0x48: {  	s0 =	simm.s32 @!p0 $0x1  }
0x49: {  	_ =	swait.ge @!p0 [sflag:s0], s1  }
0x4a: {  	s1 =	ssub.s32 @!p0 $0x0, s1;
	[sflag:s0] =	ssyncset.done @!p0 $0x0  }
0x4b: {  	[sflag:s0] =	ssyncadd.s32 @!p0 s1  }
0x4c: {  	[bflag:$0x3] =	sbarrier.arrive $0xFFFF  }
0x4d: {  	_ =	shalt  }

</sc_bundles>
